<compile_context>
chip_gen: v7x
topology: tpu7x:2x2x1
jax: 0.10.2.dev20260603
libtpu: 0.0.44.dev20260713+nightly
codegen_flags: <defaults>
</compile_context>

<pallas_src>
import functools

import jax
import jax.numpy as jnp
from jax import lax
from jax.experimental import pallas as pl
from jax.experimental.pallas import tpu as pltpu
from jax.experimental.pallas import tpu_sc as plsc

B = 4096
F = 26
E = 64
N = B * F
VOCAB = 100000
NC, NS = 2, 16
NW = NC * NS
PER_W = N // NW
SPW = B // NW
S_PER_CH = 4
CH = S_PER_CH * F
NCH = PER_W // CH
W1W = 16
WCH = 128
NWCH = PER_W // WCH
CW = 128


def _sc_v(v_table, idx_flat):
    mesh = plsc.VectorSubcoreMesh(core_axis_name="c", subcore_axis_name="s")

    @functools.partial(
        pl.kernel,
        mesh=mesh,
        compiler_params=pltpu.CompilerParams(use_tc_tiling_on_sc=False,
                                             needs_layout_passes=False),
        out_type=jax.ShapeDtypeStruct((B, CW), jnp.float32),
        scratch_types=[
            pltpu.VMEM((PER_W,), jnp.int32),
            pltpu.VMEM((CH, E), jnp.float32),
            pltpu.VMEM((CH, E), jnp.float32),
            pltpu.VMEM((SPW, CW), jnp.float32),
            pltpu.SemaphoreType.DMA,
            pltpu.SemaphoreType.DMA,
        ],
    )
    def k(vt, idxh, comb_h, idx_v, vbuf0, vbuf1, comb_all, semv0, semv1):
        wid = lax.axis_index("s") * NC + lax.axis_index("c")
        lbase = wid * PER_W
        sbase = wid * SPW
        pltpu.sync_copy(idxh.at[pl.ds(lbase, PER_W)], idx_v)

        iota16 = lax.iota(jnp.int32, 16)

        def fire_v(ci, buf, sem):
            pltpu.async_copy(vt.at[idx_v.at[pl.ds(ci * CH, CH)]], buf, sem)

        def wait_v(buf, sem):
            pltpu.make_async_copy(vt.at[pl.ds(0, CH)], buf, sem).wait()

        fire_v(0, vbuf0, semv0)

        def compute(buf, ci):
            for s in range(S_PER_CH):
                def fb(f, a, _s=s):
                    row = _s * F + f
                    v0 = buf[row, pl.ds(0, 16)]
                    v1 = buf[row, pl.ds(16, 16)]
                    v2 = buf[row, pl.ds(32, 16)]
                    v3 = buf[row, pl.ds(48, 16)]
                    return (a[0] + v0, a[1] + v1, a[2] + v2, a[3] + v3,
                            a[4] + v0 * v0, a[5] + v1 * v1,
                            a[6] + v2 * v2, a[7] + v3 * v3)
                z = jnp.zeros((16,), jnp.float32)
                acc = lax.fori_loop(0, F, fb, (z, z, z, z, z, z, z, z))
                samp = ci * S_PER_CH + s
                for c in range(4):
                    comb_all[samp, pl.ds(16 * c, 16)] = acc[c]
                sq = jnp.sum((acc[4] + acc[5]) + (acc[6] + acc[7]))
                sqv = jnp.where(iota16 == 0, sq, 0.0)
                comb_all[samp, pl.ds(E, 16)] = sqv

        @pl.loop(0, NCH, step=2)
        def _(ci):
            fire_v(ci + 1, vbuf1, semv1)
            wait_v(vbuf0, semv0)
            compute(vbuf0, ci)

            @pl.when(ci + 2 < NCH)
            def _():
                fire_v(ci + 2, vbuf0, semv0)

            wait_v(vbuf1, semv1)
            compute(vbuf1, ci + 1)

        pltpu.sync_copy(comb_all, comb_h.at[pl.ds(sbase, SPW)])

    return k(v_table, idx_flat)


def _sc_w1(w1r16, idx_flat):
    mesh = plsc.VectorSubcoreMesh(core_axis_name="c", subcore_axis_name="s")

    @functools.partial(
        pl.kernel,
        mesh=mesh,
        compiler_params=pltpu.CompilerParams(use_tc_tiling_on_sc=False,
                                             needs_layout_passes=False),
        out_type=jax.ShapeDtypeStruct((B,), jnp.float32),
        scratch_types=[
            pltpu.VMEM((PER_W,), jnp.int32),
            pltpu.VMEM((PER_W,), jnp.int32),
            pltpu.VMEM((PER_W, W1W), jnp.float32),
            pltpu.VMEM((SPW,), jnp.float32),
            pltpu.SemaphoreType.DMA,
        ],
    )
    def k(wt, idxh, w1o_h, idx_v, idxhi_v, w1rows, w1s_v, semw):
        wid = lax.axis_index("s") * NC + lax.axis_index("c")
        lbase = wid * PER_W
        sbase = wid * SPW
        pltpu.sync_copy(idxh.at[pl.ds(lbase, PER_W)], idx_v)

        iota16 = lax.iota(jnp.int32, 16)

        @pl.loop(0, PER_W // 16)
        def _(g):
            s = pl.ds(g * 16, 16)
            idxhi_v[s] = lax.shift_right_logical(idx_v[s], 4)

        @pl.loop(0, NWCH)
        def _(kk):
            off = kk * WCH
            pltpu.async_copy(wt.at[idxhi_v.at[pl.ds(off, WCH)]],
                             w1rows.at[pl.ds(off, WCH)], semw)

        pltpu.make_async_copy(wt.at[pl.ds(0, PER_W)], w1rows, semw).wait()

        @pl.loop(0, SPW // 16)
        def _(g):
            svec = iota16 + g * 16

            def wb(f, a):
                jvec = svec * F + f
                ivec = plsc.load_gather(idx_v, [jvec])
                vals = plsc.load_gather(w1rows, [jvec, ivec & 15])
                return a + vals

            acc = lax.fori_loop(0, F, wb, jnp.zeros((16,), jnp.float32))
            w1s_v[pl.ds(g * 16, 16)] = acc

        pltpu.sync_copy(w1s_v, w1o_h.at[pl.ds(sbase, SPW)])

    return k(w1r16, idx_flat)


def _tc_body(comb_ref, w1_ref, w0_ref, wl1_ref, bl1_ref, wl2_ref, bl2_ref,
             wl3_ref, bl3_ref, out_ref):
    comb = comb_ref[...]
    semb = comb[:, 0:E]
    pp = (jnp.sum(semb * semb, axis=1, keepdims=True)
          + comb[:, E:E + 1]) * (1.0 / E)
    lin = w1_ref[...] + w0_ref[...]
    memb = semb * (1.0 / F)
    h = jnp.dot(memb, wl1_ref[...], preferred_element_type=jnp.float32) + bl1_ref[...]
    h = jnp.where(h >= 0, h, 0.01 * h)
    h = jnp.dot(h, wl2_ref[...], preferred_element_type=jnp.float32) + bl2_ref[...]
    h = jnp.where(h >= 0, h, 0.01 * h)
    deep = jnp.dot(h, wl3_ref[...], preferred_element_type=jnp.float32) + bl3_ref[...]
    out_ref[...] = lin + 0.5 * pp + deep


def _tc_forward(comb, w1s, w0, wl1, bl1, wl2, bl2, wl3, bl3):
    return pl.pallas_call(
        _tc_body,
        out_shape=jax.ShapeDtypeStruct((B, 1), jnp.float32),
    )(comb, w1s, w0, wl1, bl1, wl2, bl2, wl3, bl3)


def kernel(x, W0, W1_table, V_table, W_l1, b_l1, W_l2, b_l2, W_l3, b_l3):
    idx_flat = x.reshape(-1).astype(jnp.int32)
    w1r16 = W1_table.reshape(VOCAB // W1W, W1W)
    comb = _sc_v(V_table, idx_flat)
    w1s = _sc_w1(w1r16, idx_flat)
    return _tc_forward(
        comb, w1s.reshape(B, 1),
        W0.reshape(1, 1),
        W_l1, b_l1.reshape(1, 256),
        W_l2, b_l2.reshape(1, 128),
        W_l3, b_l3.reshape(1, 1),
    )

# --- scband reference (transcript-rebuilt; emitter-appended) ---
"""Pipeline reference for scband-deep-fm-66623532695807 (READ-ONLY COPY).

The authoritative reference and input builder live on the scoring server;
editing this copy changes nothing except your own understanding.
"""

import jax, jax.numpy as jnp
import numpy as np

VOCAB = 100000
EMBED = 64
BATCH = 4096
FIELDS = 26


def leaky_relu(x, slope=0.01):
    return jnp.where(x >= 0, x, slope * x)


def setup_inputs(seed: int = 0) -> dict:
    key = jax.random.key(seed)
    ks = jax.random.split(key, 12)
    x = jax.random.randint(ks[0], (BATCH, FIELDS), 0, VOCAB, dtype=jnp.int64 if jax.config.jax_enable_x64 else jnp.int32)
    W0 = jax.random.normal(ks[1], (1,), dtype=jnp.float32)
    W1_table = jax.random.normal(ks[2], (VOCAB, 1), dtype=jnp.float32) * 0.05
    V_table = jax.random.normal(ks[3], (VOCAB, EMBED), dtype=jnp.float32) * 0.05
    # MLP: Linear(64,256) -> LeakyReLU -> Linear(256,128) -> LeakyReLU -> Linear(128,1)
    W_l1 = jax.random.normal(ks[4], (EMBED, 256), dtype=jnp.float32) * (1.0 / np.sqrt(EMBED))
    b_l1 = jnp.zeros((256,), dtype=jnp.float32)
    W_l2 = jax.random.normal(ks[5], (256, 128), dtype=jnp.float32) * (1.0 / np.sqrt(256))
    b_l2 = jnp.zeros((128,), dtype=jnp.float32)
    W_l3 = jax.random.normal(ks[6], (128, 1), dtype=jnp.float32) * (1.0 / np.sqrt(128))
    b_l3 = jnp.zeros((1,), dtype=jnp.float32)
    return {"x": x, "W0": W0, "W1_table": W1_table, "V_table": V_table,
            "W_l1": W_l1, "b_l1": b_l1, "W_l2": W_l2, "b_l2": b_l2, "W_l3": W_l3, "b_l3": b_l3}


def reference(x, W0, W1_table, V_table, W_l1, b_l1, W_l2, b_l2, W_l3, b_l3):
    # embedding lookups (SparseCore gathers)
    emb = jnp.take(V_table, x, axis=0)            # [B, F, E]
    w1 = jnp.take(W1_table, x, axis=0)            # [B, F, 1]
    # FM part (num_field=0 -> no F term; point_dot=True; weight=0.5)
    linear_part = jnp.sum(w1, axis=-2) + W0       # [B, 1]
    product_part = jnp.power(jnp.sum(emb, axis=-2), 2)        # [B, E]
    product_part = product_part + jnp.sum(jnp.power(emb, 2), axis=-2)  # [B, E] (note: += as in source)
    product_part = jnp.mean(product_part, axis=-1, keepdims=True)     # [B, 1]
    fm_out = linear_part + 0.5 * product_part     # [B, 1]
    # Deep part on mean-pooled embeddings
    embed_inputs = jnp.mean(emb, axis=-2)         # [B, E]
    h = leaky_relu(embed_inputs @ W_l1 + b_l1)
    h = leaky_relu(h @ W_l2 + b_l2)
    deep_out = h @ W_l3 + b_l3                    # [B, 1]
    return fm_out + deep_out                      # [B, 1]

if __name__ == "__main__":
    import jax
    _d = setup_inputs()
    print(jax.jit(kernel)(*tuple(_d.values())))

</pallas_src>

<mosaic_0001>
#map = affine_map<(d0, d1) -> (0, 0)>
#map1 = affine_map<(d0, d1) -> (0)>
module attributes {stable_mosaic.version = 14 : i64} {
  func.func @k(%arg0: i32, %arg1: i32, %arg2: memref<6250x16xf32, #tpu.memory_space<hbm>>, %arg3: memref<106496xi32, #tpu.memory_space<hbm>>, %arg4: memref<4096xf32, #tpu.memory_space<hbm>>, %arg5: memref<3328xi32, #tpu.memory_space<vmem>>, %arg6: memref<3328xi32, #tpu.memory_space<vmem>>, %arg7: memref<3328x16xf32, #tpu.memory_space<vmem>>, %arg8: memref<128xf32, #tpu.memory_space<vmem>>, %arg9: memref<!tpu.dma_semaphore, #tpu.memory_space<semaphore_mem>>) attributes {dimension_semantics = [#tpu.dimension_semantics<core_parallel>, #tpu.dimension_semantics<subcore_parallel>], iteration_bounds = array<i64: 2, 16>, scalar_prefetch = 0 : i64, scratch_operands = 5 : i64, tpu.core_type = #tpu.core_type<sc_vector_subcore>, window_params = [{transform_indices = #map}, {transform_indices = #map1}, {transform_indices = #map1}]} {
    %mul3A = arith.constant 2 : i32
    %mul3A_0 = arith.muli %arg1, %mul3A : i32
    %add3A = arith.addi %mul3A_0, %arg0 : i32
    %mul3A_1 = arith.constant 3328 : i32
    %mul3A_2 = arith.muli %add3A, %mul3A_1 : i32
    %mul3A_3 = arith.constant 128 : i32
    %mul3A_4 = arith.muli %add3A, %mul3A_3 : i32
    "tpu.region"() ({
      %run_scoped3A = tpu.sem_alloc : memref<!tpu.dma_semaphore, #tpu.memory_space<semaphore_mem>>
      %dma_start3A = tpu.memref_slice %arg3[%mul3A_2] : memref<106496xi32, #tpu.memory_space<hbm>> -> memref<3328xi32, #tpu.memory_space<hbm>>
      %dma_start3A_24 = tpu.memref_slice %arg3[%mul3A_2] : memref<106496xi32, #tpu.memory_space<hbm>> -> memref<3328xi32, #tpu.memory_space<hbm>>
      tpu.enqueue_dma source(%dma_start3A_24 : memref<3328xi32, #tpu.memory_space<hbm>>) target(%arg5 : memref<3328xi32, #tpu.memory_space<vmem>>) target_semaphore(%run_scoped3A : memref<!tpu.dma_semaphore, #tpu.memory_space<semaphore_mem>>)
      %dma_wait3A_25 = tpu.memref_slice %arg3[%mul3A_2] : memref<106496xi32, #tpu.memory_space<hbm>> -> memref<3328xi32, #tpu.memory_space<hbm>>
      %dma_wait3A_26 = tpu.memref_slice %arg3[%mul3A_2] : memref<106496xi32, #tpu.memory_space<hbm>> -> memref<3328xi32, #tpu.memory_space<hbm>>
      tpu.wait_dma2 semaphore(%run_scoped3A : memref<!tpu.dma_semaphore, #tpu.memory_space<semaphore_mem>>) src(%dma_wait3A_26 : memref<3328xi32, #tpu.memory_space<hbm>>) dst(%arg5 : memref<3328xi32, #tpu.memory_space<vmem>>)
      tpu.yield
    }) : () -> ()
    %iota3A = tpu.iota {dimensions = array<i32: 0>} : vector<16xi32>
    %scan3A = arith.constant 0 : i32
    %scan3A_5 = arith.constant 208 : i32
    %scan3A_6 = arith.addi %scan3A, %scan3A_5 : i32
    %scan3A_7 = arith.constant 1 : i32
    scf.for %scan3A_24 = %scan3A to %scan3A_6 step %scan3A_7  : i32 {
      %mul3A_25 = arith.constant 1 : i32
      %mul3A_26 = arith.muli %scan3A_24, %mul3A_25 : i32
      %add3A_27 = arith.constant 0 : i32
      %add3A_28 = arith.addi %add3A_27, %mul3A_26 : i32
      %mul3A_29 = arith.constant 16 : i32
      %mul3A_30 = arith.muli %add3A_28, %mul3A_29 : i32
      %get3A = arith.index_cast %mul3A_30 : i32 to index
      %get3A_31 = tpu.vector_load %arg5[%get3A] {strides = array<i32>} : memref<3328xi32, #tpu.memory_space<vmem>>, vector<16xi32>,
      %shift_right_logical3A = arith.constant 4 : i32
      %shift_right_logical3A_32 = vector.broadcast %shift_right_logical3A : i32 to vector<16xi32>
      %shift_right_logical3A_33 = arith.shrui %get3A_31, %shift_right_logical3A_32 : vector<16xi32>
      %swap3A = arith.index_cast %mul3A_30 : i32 to index
      %swap3A_34 = tpu.vector_load %arg6[%swap3A] {strides = array<i32>} : memref<3328xi32, #tpu.memory_space<vmem>>, vector<16xi32>,
      tpu.vector_store %arg6[%swap3A], %shift_right_logical3A_33 {strides = array<i32>} : memref<3328xi32, #tpu.memory_space<vmem>>, vector<16xi32>,
    }
    %scan3A_8 = arith.constant 208 : i32
    %scan3A_9 = arith.constant 0 : i32
    %scan3A_10 = arith.constant 26 : i32
    %scan3A_11 = arith.addi %scan3A_9, %scan3A_10 : i32
    %scan3A_12 = arith.constant 1 : i32
    scf.for %scan3A_24 = %scan3A_9 to %scan3A_11 step %scan3A_12  : i32 {
      %mul3A_25 = arith.constant 1 : i32
      %mul3A_26 = arith.muli %scan3A_24, %mul3A_25 : i32
      %add3A_27 = arith.constant 0 : i32
      %add3A_28 = arith.addi %add3A_27, %mul3A_26 : i32
      %mul3A_29 = arith.constant 128 : i32
      %mul3A_30 = arith.muli %add3A_28, %mul3A_29 : i32
      %dma_start3A = arith.constant 0 : i32
      %dma_start3A_31 = tpu.memref_slice %arg7[%mul3A_30, %dma_start3A] : memref<3328x16xf32, #tpu.memory_space<vmem>> -> memref<128x16xf32, #tpu.memory_space<vmem>>
      %dma_start3A_32 = tpu.memref_slice %arg6[%mul3A_30] : memref<3328xi32, #tpu.memory_space<vmem>> -> memref<128xi32, #tpu.memory_space<vmem>>
      %dma_start3A_33 = arith.constant 0 : i32
      %dma_start3A_34 = arith.constant 0 : i32
      %dma_start3A_35 = tpu.memref_slice %arg2[%dma_start3A_33, %dma_start3A_34] : memref<6250x16xf32, #tpu.memory_space<hbm>> -> memref<6250x16xf32, #tpu.memory_space<hbm>>
      tpu.enqueue_indirect_dma source(%dma_start3A_35 : memref<6250x16xf32, #tpu.memory_space<hbm>>) target(%dma_start3A_31 : memref<128x16xf32, #tpu.memory_space<vmem>>) offsets(%dma_start3A_32 : memref<128xi32, #tpu.memory_space<vmem>>) semaphore(%arg9 : memref<!tpu.dma_semaphore, #tpu.memory_space<semaphore_mem>>)
    }
    %scan3A_13 = arith.constant 26 : i32
    %dma_wait3A = arith.constant 0 : i32
    %dma_wait3A_14 = arith.constant 0 : i32
    %dma_wait3A_15 = tpu.memref_slice %arg2[%dma_wait3A, %dma_wait3A_14] : memref<6250x16xf32, #tpu.memory_space<hbm>> -> memref<3328x16xf32, #tpu.memory_space<hbm>>
    %dma_wait3A_16 = arith.constant 0 : i32
    %dma_wait3A_17 = arith.constant 0 : i32
    %dma_wait3A_18 = tpu.memref_slice %arg2[%dma_wait3A_16, %dma_wait3A_17] : memref<6250x16xf32, #tpu.memory_space<hbm>> -> memref<3328x16xf32, #tpu.memory_space<hbm>>
    tpu.wait_dma2 semaphore(%arg9 : memref<!tpu.dma_semaphore, #tpu.memory_space<semaphore_mem>>) src(%dma_wait3A_18 : memref<3328x16xf32, #tpu.memory_space<hbm>>) dst(%arg7 : memref<3328x16xf32, #tpu.memory_space<vmem>>)
    %scan3A_19 = arith.constant 0 : i32
    %scan3A_20 = arith.constant 8 : i32
    %scan3A_21 = arith.addi %scan3A_19, %scan3A_20 : i32
    %scan3A_22 = arith.constant 1 : i32
    scf.for %scan3A_24 = %scan3A_19 to %scan3A_21 step %scan3A_22  : i32 {
      %mul3A_25 = arith.constant 1 : i32
      %mul3A_26 = arith.muli %scan3A_24, %mul3A_25 : i32
      %add3A_27 = arith.constant 0 : i32
      %add3A_28 = arith.addi %add3A_27, %mul3A_26 : i32
      %mul3A_29 = arith.constant 16 : i32
      %mul3A_30 = arith.muli %add3A_28, %mul3A_29 : i32
      %add3A_31 = vector.broadcast %mul3A_30 : i32 to vector<16xi32>
      %add3A_32 = arith.addi %iota3A, %add3A_31 : vector<16xi32>
      %broadcast_in_dim3A = arith.constant 0.000000e+00 : f32
      %broadcast_in_dim3A_33 = vector.broadcast %broadcast_in_dim3A : f32 to vector<16xf32>
      %scan3A_34 = arith.constant 0 : i32
      %scan3A_35 = arith.constant 26 : i32
      %scan3A_36 = arith.addi %scan3A_34, %scan3A_35 : i32
      %scan3A_37 = arith.constant 1 : i32
      %scan3A_38 = scf.for %scan3A_43 = %scan3A_34 to %scan3A_36 step %scan3A_37 iter_args(%scan3A_44 = %broadcast_in_dim3A_33) -> (vector<16xf32>)  : i32 {
        %mul3A_45 = arith.constant 26 : i32
        %mul3A_46 = vector.broadcast %mul3A_45 : i32 to vector<16xi32>
        %mul3A_47 = arith.muli %add3A_32, %mul3A_46 : vector<16xi32>
        %add3A_48 = vector.broadcast %scan3A_43 : i32 to vector<16xi32>
        %add3A_49 = arith.addi %mul3A_47, %add3A_48 : vector<16xi32>
        %gather3A = tpu.vector_load_idx %arg5[%add3A_49] : memref<3328xi32, #tpu.memory_space<vmem>>[vector<16xi32>], vector<16xi32>,
        %and3A = arith.constant 15 : i32
        %and3A_50 = vector.broadcast %and3A : i32 to vector<16xi32>
        %and3A_51 = arith.andi %gather3A, %and3A_50 : vector<16xi32>
        %gather3A_52 = tpu.vector_load_idx %arg7[%add3A_49, %and3A_51] : memref<3328x16xf32, #tpu.memory_space<vmem>>[vector<16xi32>, vector<16xi32>], vector<16xf32>,
        %add3A_53 = arith.addf %scan3A_44, %gather3A_52 : vector<16xf32>
        scf.yield %add3A_53 : vector<16xf32>
      }
      %scan3A_39 = arith.constant 26 : i32
      %mul3A_40 = arith.constant 16 : i32
      %mul3A_41 = arith.muli %add3A_28, %mul3A_40 : i32
      %swap3A = arith.index_cast %mul3A_41 : i32 to index
      %swap3A_42 = tpu.vector_load %arg8[%swap3A] {strides = array<i32>} : memref<128xf32, #tpu.memory_space<vmem>>, vector<16xf32>,
      tpu.vector_store %arg8[%swap3A], %scan3A_38 {strides = array<i32>} : memref<128xf32, #tpu.memory_space<vmem>>, vector<16xf32>,
    }
    %scan3A_23 = arith.constant 8 : i32
    "tpu.region"() ({
      %run_scoped3A = tpu.sem_alloc : memref<!tpu.dma_semaphore, #tpu.memory_space<semaphore_mem>>
      %dma_start3A = tpu.memref_slice %arg4[%mul3A_4] : memref<4096xf32, #tpu.memory_space<hbm>> -> memref<128xf32, #tpu.memory_space<hbm>>
      %dma_start3A_24 = tpu.memref_slice %arg4[%mul3A_4] : memref<4096xf32, #tpu.memory_space<hbm>> -> memref<128xf32, #tpu.memory_space<hbm>>
      tpu.enqueue_dma source(%arg8 : memref<128xf32, #tpu.memory_space<vmem>>) target(%dma_start3A_24 : memref<128xf32, #tpu.memory_space<hbm>>) target_semaphore(%run_scoped3A : memref<!tpu.dma_semaphore, #tpu.memory_space<semaphore_mem>>)
      %dma_wait3A_25 = tpu.memref_slice %arg4[%mul3A_4] : memref<4096xf32, #tpu.memory_space<hbm>> -> memref<128xf32, #tpu.memory_space<hbm>>
      %dma_wait3A_26 = tpu.memref_slice %arg4[%mul3A_4] : memref<4096xf32, #tpu.memory_space<hbm>> -> memref<128xf32, #tpu.memory_space<hbm>>
      tpu.wait_dma2 semaphore(%run_scoped3A : memref<!tpu.dma_semaphore, #tpu.memory_space<semaphore_mem>>) src(%arg8 : memref<128xf32, #tpu.memory_space<vmem>>) dst(%dma_wait3A_26 : memref<128xf32, #tpu.memory_space<hbm>>)
      tpu.yield
    }) : () -> ()
    return
  }
}

#map = affine_map<(d0, d1) -> (0, 0)>
#map1 = affine_map<(d0, d1) -> (0)>
module attributes {stable_mosaic.version = 14 : i64} {
  func.func @k(%arg0: i32, %arg1: i32, %arg2: memref<100000x64xf32, #tpu.memory_space<hbm>>, %arg3: memref<106496xi32, #tpu.memory_space<hbm>>, %arg4: memref<4096x128xf32, #tpu.memory_space<hbm>>, %arg5: memref<3328xi32, #tpu.memory_space<vmem>>, %arg6: memref<104x64xf32, #tpu.memory_space<vmem>>, %arg7: memref<104x64xf32, #tpu.memory_space<vmem>>, %arg8: memref<128x128xf32, #tpu.memory_space<vmem>>, %arg9: memref<!tpu.dma_semaphore, #tpu.memory_space<semaphore_mem>>, %arg10: memref<!tpu.dma_semaphore, #tpu.memory_space<semaphore_mem>>) attributes {dimension_semantics = [#tpu.dimension_semantics<core_parallel>, #tpu.dimension_semantics<subcore_parallel>], iteration_bounds = array<i64: 2, 16>, scalar_prefetch = 0 : i64, scratch_operands = 6 : i64, tpu.core_type = #tpu.core_type<sc_vector_subcore>, window_params = [{transform_indices = #map}, {transform_indices = #map1}, {transform_indices = #map}]} {
    %mul3A = arith.constant 2 : i32
    %mul3A_0 = arith.muli %arg1, %mul3A : i32
    %add3A = arith.addi %mul3A_0, %arg0 : i32
    %mul3A_1 = arith.constant 3328 : i32
    %mul3A_2 = arith.muli %add3A, %mul3A_1 : i32
    %mul3A_3 = arith.constant 128 : i32
    %mul3A_4 = arith.muli %add3A, %mul3A_3 : i32
    "tpu.region"() ({
      %run_scoped3A = tpu.sem_alloc : memref<!tpu.dma_semaphore, #tpu.memory_space<semaphore_mem>>
      %dma_start3A_13 = tpu.memref_slice %arg3[%mul3A_2] : memref<106496xi32, #tpu.memory_space<hbm>> -> memref<3328xi32, #tpu.memory_space<hbm>>
      %dma_start3A_14 = tpu.memref_slice %arg3[%mul3A_2] : memref<106496xi32, #tpu.memory_space<hbm>> -> memref<3328xi32, #tpu.memory_space<hbm>>
      tpu.enqueue_dma source(%dma_start3A_14 : memref<3328xi32, #tpu.memory_space<hbm>>) target(%arg5 : memref<3328xi32, #tpu.memory_space<vmem>>) target_semaphore(%run_scoped3A : memref<!tpu.dma_semaphore, #tpu.memory_space<semaphore_mem>>)
      %dma_wait3A = tpu.memref_slice %arg3[%mul3A_2] : memref<106496xi32, #tpu.memory_space<hbm>> -> memref<3328xi32, #tpu.memory_space<hbm>>
      %dma_wait3A_15 = tpu.memref_slice %arg3[%mul3A_2] : memref<106496xi32, #tpu.memory_space<hbm>> -> memref<3328xi32, #tpu.memory_space<hbm>>
      tpu.wait_dma2 semaphore(%run_scoped3A : memref<!tpu.dma_semaphore, #tpu.memory_space<semaphore_mem>>) src(%dma_wait3A_15 : memref<3328xi32, #tpu.memory_space<hbm>>) dst(%arg5 : memref<3328xi32, #tpu.memory_space<vmem>>)
      tpu.yield
    }) : () -> ()
    %iota3A = tpu.iota {dimensions = array<i32: 0>} : vector<16xi32>
    %dma_start3A = arith.constant 0 : i32
    %dma_start3A_5 = tpu.memref_slice %arg5[%dma_start3A] : memref<3328xi32, #tpu.memory_space<vmem>> -> memref<104xi32, #tpu.memory_space<vmem>>
    %dma_start3A_6 = arith.constant 0 : i32
    %dma_start3A_7 = arith.constant 0 : i32
    %dma_start3A_8 = tpu.memref_slice %arg2[%dma_start3A_6, %dma_start3A_7] : memref<100000x64xf32, #tpu.memory_space<hbm>> -> memref<100000x64xf32, #tpu.memory_space<hbm>>
    tpu.enqueue_indirect_dma source(%dma_start3A_8 : memref<100000x64xf32, #tpu.memory_space<hbm>>) target(%arg6 : memref<104x64xf32, #tpu.memory_space<vmem>>) offsets(%dma_start3A_5 : memref<104xi32, #tpu.memory_space<vmem>>) semaphore(%arg9 : memref<!tpu.dma_semaphore, #tpu.memory_space<semaphore_mem>>)
    %scan3A = arith.constant 0 : i32
    %scan3A_9 = arith.constant 16 : i32
    %scan3A_10 = arith.addi %scan3A, %scan3A_9 : i32
    %scan3A_11 = arith.constant 1 : i32
    scf.for %scan3A_13 = %scan3A to %scan3A_10 step %scan3A_11  : i32 {
      %mul3A_14 = arith.constant 2 : i32
      %mul3A_15 = arith.muli %scan3A_13, %mul3A_14 : i32
      %add3A_16 = arith.constant 0 : i32
      %add3A_17 = arith.addi %add3A_16, %mul3A_15 : i32
      %add3A_18 = arith.constant 1 : i32
      %add3A_19 = arith.addi %add3A_17, %add3A_18 : i32
      %mul3A_20 = arith.constant 104 : i32
      %mul3A_21 = arith.muli %add3A_19, %mul3A_20 : i32
      %dma_start3A_22 = tpu.memref_slice %arg5[%mul3A_21] : memref<3328xi32, #tpu.memory_space<vmem>> -> memref<104xi32, #tpu.memory_space<vmem>>
      %dma_start3A_23 = arith.constant 0 : i32
      %dma_start3A_24 = arith.constant 0 : i32
      %dma_start3A_25 = tpu.memref_slice %arg2[%dma_start3A_23, %dma_start3A_24] : memref<100000x64xf32, #tpu.memory_space<hbm>> -> memref<100000x64xf32, #tpu.memory_space<hbm>>
      tpu.enqueue_indirect_dma source(%dma_start3A_25 : memref<100000x64xf32, #tpu.memory_space<hbm>>) target(%arg7 : memref<104x64xf32, #tpu.memory_space<vmem>>) offsets(%dma_start3A_22 : memref<104xi32, #tpu.memory_space<vmem>>) semaphore(%arg10 : memref<!tpu.dma_semaphore, #tpu.memory_space<semaphore_mem>>)
      %dma_wait3A = arith.constant 0 : i32
      %dma_wait3A_26 = arith.constant 0 : i32
      %dma_wait3A_27 = tpu.memref_slice %arg2[%dma_wait3A, %dma_wait3A_26] : memref<100000x64xf32, #tpu.memory_space<hbm>> -> memref<104x64xf32, #tpu.memory_space<hbm>>
      %dma_wait3A_28 = arith.constant 0 : i32
      %dma_wait3A_29 = arith.constant 0 : i32
      %dma_wait3A_30 = tpu.memref_slice %arg2[%dma_wait3A_28, %dma_wait3A_29] : memref<100000x64xf32, #tpu.memory_space<hbm>> -> memref<104x64xf32, #tpu.memory_space<hbm>>
      tpu.wait_dma2 semaphore(%arg9 : memref<!tpu.dma_semaphore, #tpu.memory_space<semaphore_mem>>) src(%dma_wait3A_30 : memref<104x64xf32, #tpu.memory_space<hbm>>) dst(%arg6 : memref<104x64xf32, #tpu.memory_space<vmem>>)
      %broadcast_in_dim3A = arith.constant 0.000000e+00 : f32
      %broadcast_in_dim3A_31 = vector.broadcast %broadcast_in_dim3A : f32 to vector<16xf32>
      %scan3A_32 = arith.constant 0 : i32
      %scan3A_33 = arith.constant 26 : i32
      %scan3A_34 = arith.addi %scan3A_32, %scan3A_33 : i32
      %scan3A_35 = arith.constant 1 : i32
      %scan3A_36:8 = scf.for %scan3A_365 = %scan3A_32 to %scan3A_34 step %scan3A_35 iter_args(%scan3A_366 = %broadcast_in_dim3A_31, %scan3A_367 = %broadcast_in_dim3A_31, %scan3A_368 = %broadcast_in_dim3A_31, %scan3A_369 = %broadcast_in_dim3A_31, %scan3A_370 = %broadcast_in_dim3A_31, %scan3A_371 = %broadcast_in_dim3A_31, %scan3A_372 = %broadcast_in_dim3A_31, %scan3A_373 = %broadcast_in_dim3A_31) -> (vector<16xf32>, vector<16xf32>, vector<16xf32>, vector<16xf32>, vector<16xf32>, vector<16xf32>, vector<16xf32>, vector<16xf32>)  : i32 {
        %add3A_374 = arith.constant 0 : i32
        %add3A_375 = arith.addi %add3A_374, %scan3A_365 : i32
        %get3A = arith.index_cast %add3A_375 : i32 to index
        %get3A_376 = arith.constant 0 : index
        %get3A_377 = tpu.vector_load %arg6[%get3A, %get3A_376] {strides = array<i32>} : memref<104x64xf32, #tpu.memory_space<vmem>>, vector<16xf32>,
        %get3A_378 = arith.index_cast %add3A_375 : i32 to index
        %get3A_379 = arith.constant 16 : index
        %get3A_380 = tpu.vector_load %arg6[%get3A_378, %get3A_379] {strides = array<i32>} : memref<104x64xf32, #tpu.memory_space<vmem>>, vector<16xf32>,
        %get3A_381 = arith.index_cast %add3A_375 : i32 to index
        %get3A_382 = arith.constant 32 : index
        %get3A_383 = tpu.vector_load %arg6[%get3A_381, %get3A_382] {strides = array<i32>} : memref<104x64xf32, #tpu.memory_space<vmem>>, vector<16xf32>,
        %get3A_384 = arith.index_cast %add3A_375 : i32 to index
        %get3A_385 = arith.constant 48 : index
        %get3A_386 = tpu.vector_load %arg6[%get3A_384, %get3A_385] {strides = array<i32>} : memref<104x64xf32, #tpu.memory_space<vmem>>, vector<16xf32>,
        %add3A_387 = arith.addf %scan3A_366, %get3A_377 : vector<16xf32>
        %add3A_388 = arith.addf %scan3A_367, %get3A_380 : vector<16xf32>
        %add3A_389 = arith.addf %scan3A_368, %get3A_383 : vector<16xf32>
        %add3A_390 = arith.addf %scan3A_369, %get3A_386 : vector<16xf32>
        %mul3A_391 = arith.mulf %get3A_377, %get3A_377 : vector<16xf32>
        %add3A_392 = arith.addf %scan3A_370, %mul3A_391 : vector<16xf32>
        %mul3A_393 = arith.mulf %get3A_380, %get3A_380 : vector<16xf32>
        %add3A_394 = arith.addf %scan3A_371, %mul3A_393 : vector<16xf32>
        %mul3A_395 = arith.mulf %get3A_383, %get3A_383 : vector<16xf32>
        %add3A_396 = arith.addf %scan3A_372, %mul3A_395 : vector<16xf32>
        %mul3A_397 = arith.mulf %get3A_386, %get3A_386 : vector<16xf32>
        %add3A_398 = arith.addf %scan3A_373, %mul3A_397 : vector<16xf32>
        scf.yield %add3A_387, %add3A_388, %add3A_389, %add3A_390, %add3A_392, %add3A_394, %add3A_396, %add3A_398 : vector<16xf32>, vector<16xf32>, vector<16xf32>, vector<16xf32>, vector<16xf32>, vector<16xf32>, vector<16xf32>, vector<16xf32>
      }
      %scan3A_37 = arith.constant 26 : i32
      %mul3A_38 = arith.constant 4 : i32
      %mul3A_39 = arith.muli %add3A_17, %mul3A_38 : i32
      %add3A_40 = arith.constant 0 : i32
      %add3A_41 = arith.addi %mul3A_39, %add3A_40 : i32
      %swap3A = arith.index_cast %add3A_41 : i32 to index
      %swap3A_42 = arith.constant 0 : index
      %swap3A_43 = tpu.vector_load %arg8[%swap3A, %swap3A_42] {strides = array<i32>} : memref<128x128xf32, #tpu.memory_space<vmem>>, vector<16xf32>,
      tpu.vector_store %arg8[%swap3A, %swap3A_42], %scan3A_36#0 {strides = array<i32>} : memref<128x128xf32, #tpu.memory_space<vmem>>, vector<16xf32>,
      %swap3A_44 = arith.index_cast %add3A_41 : i32 to index
      %swap3A_45 = arith.constant 16 : index
      %swap3A_46 = tpu.vector_load %arg8[%swap3A_44, %swap3A_45] {strides = array<i32>} : memref<128x128xf32, #tpu.memory_space<vmem>>, vector<16xf32>,
      tpu.vector_store %arg8[%swap3A_44, %swap3A_45], %scan3A_36#1 {strides = array<i32>} : memref<128x128xf32, #tpu.memory_space<vmem>>, vector<16xf32>,
      %swap3A_47 = arith.index_cast %add3A_41 : i32 to index
      %swap3A_48 = arith.constant 32 : index
      %swap3A_49 = tpu.vector_load %arg8[%swap3A_47, %swap3A_48] {strides = array<i32>} : memref<128x128xf32, #tpu.memory_space<vmem>>, vector<16xf32>,
      tpu.vector_store %arg8[%swap3A_47, %swap3A_48], %scan3A_36#2 {strides = array<i32>} : memref<128x128xf32, #tpu.memory_space<vmem>>, vector<16xf32>,
      %swap3A_50 = arith.index_cast %add3A_41 : i32 to index
      %swap3A_51 = arith.constant 48 : index
      %swap3A_52 = tpu.vector_load %arg8[%swap3A_50, %swap3A_51] {strides = array<i32>} : memref<128x128xf32, #tpu.memory_space<vmem>>, vector<16xf32>,
      tpu.vector_store %arg8[%swap3A_50, %swap3A_51], %scan3A_36#3 {strides = array<i32>} : memref<128x128xf32, #tpu.memory_space<vmem>>, vector<16xf32>,
      %add3A_53 = arith.addf %scan3A_36#4, %scan3A_36#5 : vector<16xf32>
      %add3A_54 = arith.addf %scan3A_36#6, %scan3A_36#7 : vector<16xf32>
      %add3A_55 = arith.addf %add3A_53, %add3A_54 : vector<16xf32>
      %reduce_sum3A = arith.constant true
      %reduce_sum3A_56 = vector.broadcast %reduce_sum3A : i1 to vector<16xi1>
      %reduce_sum3A_57 = tpu.scan <sum>, %add3A_55 masked %reduce_sum3A_56 : vector<16xf32>, vector<16xi1> -> vector<16xf32>
      %reduce_sum3A_58 = vector.extract %reduce_sum3A_57[15] : f32 from vector<16xf32>
      %eq3A = arith.constant 0 : i32
      %eq3A_59 = vector.broadcast %eq3A : i32 to vector<16xi32>
      %eq3A_60 = arith.cmpi eq, %iota3A, %eq3A_59 : vector<16xi32>
      %jit3A = arith.constant 0.000000e+00 : f32
      %broadcast_in_dim3A_61 = vector.broadcast %reduce_sum3A_58 : f32 to vector<16xf32>
      %broadcast_in_dim3A_62 = vector.broadcast %jit3A : f32 to vector<16xf32>
      %select_n3A = arith.select %eq3A_60, %broadcast_in_dim3A_61, %broadcast_in_dim3A_62 : vector<16xi1>, vector<16xf32>
      %swap3A_63 = arith.index_cast %add3A_41 : i32 to index
      %swap3A_64 = arith.constant 64 : index
      %swap3A_65 = tpu.vector_load %arg8[%swap3A_63, %swap3A_64] {strides = array<i32>} : memref<128x128xf32, #tpu.memory_space<vmem>>, vector<16xf32>,
      tpu.vector_store %arg8[%swap3A_63, %swap3A_64], %select_n3A {strides = array<i32>} : memref<128x128xf32, #tpu.memory_space<vmem>>, vector<16xf32>,
      %broadcast_in_dim3A_66 = arith.constant 0.000000e+00 : f32
      %broadcast_in_dim3A_67 = vector.broadcast %broadcast_in_dim3A_66 : f32 to vector<16xf32>
      %scan3A_68 = arith.constant 0 : i32
      %scan3A_69 = arith.constant 26 : i32
      %scan3A_70 = arith.addi %scan3A_68, %scan3A_69 : i32
      %scan3A_71 = arith.constant 1 : i32
      %scan3A_72:8 = scf.for %scan3A_365 = %scan3A_68 to %scan3A_70 step %scan3A_71 iter_args(%scan3A_366 = %broadcast_in_dim3A_67, %scan3A_367 = %broadcast_in_dim3A_67, %scan3A_368 = %broadcast_in_dim3A_67, %scan3A_369 = %broadcast_in_dim3A_67, %scan3A_370 = %broadcast_in_dim3A_67, %scan3A_371 = %broadcast_in_dim3A_67, %scan3A_372 = %broadcast_in_dim3A_67, %scan3A_373 = %broadcast_in_dim3A_67) -> (vector<16xf32>, vector<16xf32>, vector<16xf32>, vector<16xf32>, vector<16xf32>, vector<16xf32>, vector<16xf32>, vector<16xf32>)  : i32 {
        %add3A_374 = arith.constant 26 : i32
        %add3A_375 = arith.addi %add3A_374, %scan3A_365 : i32
        %get3A = arith.index_cast %add3A_375 : i32 to index
        %get3A_376 = arith.constant 0 : index
        %get3A_377 = tpu.vector_load %arg6[%get3A, %get3A_376] {strides = array<i32>} : memref<104x64xf32, #tpu.memory_space<vmem>>, vector<16xf32>,
        %get3A_378 = arith.index_cast %add3A_375 : i32 to index
        %get3A_379 = arith.constant 16 : index
        %get3A_380 = tpu.vector_load %arg6[%get3A_378, %get3A_379] {strides = array<i32>} : memref<104x64xf32, #tpu.memory_space<vmem>>, vector<16xf32>,
        %get3A_381 = arith.index_cast %add3A_375 : i32 to index
        %get3A_382 = arith.constant 32 : index
        %get3A_383 = tpu.vector_load %arg6[%get3A_381, %get3A_382] {strides = array<i32>} : memref<104x64xf32, #tpu.memory_space<vmem>>, vector<16xf32>,
        %get3A_384 = arith.index_cast %add3A_375 : i32 to index
        %get3A_385 = arith.constant 48 : index
        %get3A_386 = tpu.vector_load %arg6[%get3A_384, %get3A_385] {strides = array<i32>} : memref<104x64xf32, #tpu.memory_space<vmem>>, vector<16xf32>,
        %add3A_387 = arith.addf %scan3A_366, %get3A_377 : vector<16xf32>
        %add3A_388 = arith.addf %scan3A_367, %get3A_380 : vector<16xf32>
        %add3A_389 = arith.addf %scan3A_368, %get3A_383 : vector<16xf32>
        %add3A_390 = arith.addf %scan3A_369, %get3A_386 : vector<16xf32>
        %mul3A_391 = arith.mulf %get3A_377, %get3A_377 : vector<16xf32>
        %add3A_392 = arith.addf %scan3A_370, %mul3A_391 : vector<16xf32>
        %mul3A_393 = arith.mulf %get3A_380, %get3A_380 : vector<16xf32>
        %add3A_394 = arith.addf %scan3A_371, %mul3A_393 : vector<16xf32>
        %mul3A_395 = arith.mulf %get3A_383, %get3A_383 : vector<16xf32>
        %add3A_396 = arith.addf %scan3A_372, %mul3A_395 : vector<16xf32>
        %mul3A_397 = arith.mulf %get3A_386, %get3A_386 : vector<16xf32>
        %add3A_398 = arith.addf %scan3A_373, %mul3A_397 : vector<16xf32>
        scf.yield %add3A_387, %add3A_388, %add3A_389, %add3A_390, %add3A_392, %add3A_394, %add3A_396, %add3A_398 : vector<16xf32>, vector<16xf32>, vector<16xf32>, vector<16xf32>, vector<16xf32>, vector<16xf32>, vector<16xf32>, vector<16xf32>
      }
      %scan3A_73 = arith.constant 26 : i32
      %mul3A_74 = arith.constant 4 : i32
      %mul3A_75 = arith.muli %add3A_17, %mul3A_74 : i32
      %add3A_76 = arith.constant 1 : i32
      %add3A_77 = arith.addi %mul3A_75, %add3A_76 : i32
      %swap3A_78 = arith.index_cast %add3A_77 : i32 to index
      %swap3A_79 = arith.constant 0 : index
      %swap3A_80 = tpu.vector_load %arg8[%swap3A_78, %swap3A_79] {strides = array<i32>} : memref<128x128xf32, #tpu.memory_space<vmem>>, vector<16xf32>,
      tpu.vector_store %arg8[%swap3A_78, %swap3A_79], %scan3A_72#0 {strides = array<i32>} : memref<128x128xf32, #tpu.memory_space<vmem>>, vector<16xf32>,
      %swap3A_81 = arith.index_cast %add3A_77 : i32 to index
      %swap3A_82 = arith.constant 16 : index
      %swap3A_83 = tpu.vector_load %arg8[%swap3A_81, %swap3A_82] {strides = array<i32>} : memref<128x128xf32, #tpu.memory_space<vmem>>, vector<16xf32>,
      tpu.vector_store %arg8[%swap3A_81, %swap3A_82], %scan3A_72#1 {strides = array<i32>} : memref<128x128xf32, #tpu.memory_space<vmem>>, vector<16xf32>,
      %swap3A_84 = arith.index_cast %add3A_77 : i32 to index
      %swap3A_85 = arith.constant 32 : index
      %swap3A_86 = tpu.vector_load %arg8[%swap3A_84, %swap3A_85] {strides = array<i32>} : memref<128x128xf32, #tpu.memory_space<vmem>>, vector<16xf32>,
      tpu.vector_store %arg8[%swap3A_84, %swap3A_85], %scan3A_72#2 {strides = array<i32>} : memref<128x128xf32, #tpu.memory_space<vmem>>, vector<16xf32>,
      %swap3A_87 = arith.index_cast %add3A_77 : i32 to index
      %swap3A_88 = arith.constant 48 : index
      %swap3A_89 = tpu.vector_load %arg8[%swap3A_87, %swap3A_88] {strides = array<i32>} : memref<128x128xf32, #tpu.memory_space<vmem>>, vector<16xf32>,
      tpu.vector_store %arg8[%swap3A_87, %swap3A_88], %scan3A_72#3 {strides = array<i32>} : memref<128x128xf32, #tpu.memory_space<vmem>>, vector<16xf32>,
      %add3A_90 = arith.addf %scan3A_72#4, %scan3A_72#5 : vector<16xf32>
      %add3A_91 = arith.addf %scan3A_72#6, %scan3A_72#7 : vector<16xf32>
      %add3A_92 = arith.addf %add3A_90, %add3A_91 : vector<16xf32>
      %reduce_sum3A_93 = arith.constant true
      %reduce_sum3A_94 = vector.broadcast %reduce_sum3A_93 : i1 to vector<16xi1>
      %reduce_sum3A_95 = tpu.scan <sum>, %add3A_92 masked %reduce_sum3A_94 : vector<16xf32>, vector<16xi1> -> vector<16xf32>
      %reduce_sum3A_96 = vector.extract %reduce_sum3A_95[15] : f32 from vector<16xf32>
      %eq3A_97 = arith.constant 0 : i32
      %eq3A_98 = vector.broadcast %eq3A_97 : i32 to vector<16xi32>
      %eq3A_99 = arith.cmpi eq, %iota3A, %eq3A_98 : vector<16xi32>
      %jit3A_100 = arith.constant 0.000000e+00 : f32
      %broadcast_in_dim3A_101 = vector.broadcast %reduce_sum3A_96 : f32 to vector<16xf32>
      %broadcast_in_dim3A_102 = vector.broadcast %jit3A_100 : f32 to vector<16xf32>
      %select_n3A_103 = arith.select %eq3A_99, %broadcast_in_dim3A_101, %broadcast_in_dim3A_102 : vector<16xi1>, vector<16xf32>
      %swap3A_104 = arith.index_cast %add3A_77 : i32 to index
      %swap3A_105 = arith.constant 64 : index
      %swap3A_106 = tpu.vector_load %arg8[%swap3A_104, %swap3A_105] {strides = array<i32>} : memref<128x128xf32, #tpu.memory_space<vmem>>, vector<16xf32>,
      tpu.vector_store %arg8[%swap3A_104, %swap3A_105], %select_n3A_103 {strides = array<i32>} : memref<128x128xf32, #tpu.memory_space<vmem>>, vector<16xf32>,
      %broadcast_in_dim3A_107 = arith.constant 0.000000e+00 : f32
      %broadcast_in_dim3A_108 = vector.broadcast %broadcast_in_dim3A_107 : f32 to vector<16xf32>
      %scan3A_109 = arith.constant 0 : i32
      %scan3A_110 = arith.constant 26 : i32
      %scan3A_111 = arith.addi %scan3A_109, %scan3A_110 : i32
      %scan3A_112 = arith.constant 1 : i32
      %scan3A_113:8 = scf.for %scan3A_365 = %scan3A_109 to %scan3A_111 step %scan3A_112 iter_args(%scan3A_366 = %broadcast_in_dim3A_108, %scan3A_367 = %broadcast_in_dim3A_108, %scan3A_368 = %broadcast_in_dim3A_108, %scan3A_369 = %broadcast_in_dim3A_108, %scan3A_370 = %broadcast_in_dim3A_108, %scan3A_371 = %broadcast_in_dim3A_108, %scan3A_372 = %broadcast_in_dim3A_108, %scan3A_373 = %broadcast_in_dim3A_108) -> (vector<16xf32>, vector<16xf32>, vector<16xf32>, vector<16xf32>, vector<16xf32>, vector<16xf32>, vector<16xf32>, vector<16xf32>)  : i32 {
        %add3A_374 = arith.constant 52 : i32
        %add3A_375 = arith.addi %add3A_374, %scan3A_365 : i32
        %get3A = arith.index_cast %add3A_375 : i32 to index
        %get3A_376 = arith.constant 0 : index
        %get3A_377 = tpu.vector_load %arg6[%get3A, %get3A_376] {strides = array<i32>} : memref<104x64xf32, #tpu.memory_space<vmem>>, vector<16xf32>,
        %get3A_378 = arith.index_cast %add3A_375 : i32 to index
        %get3A_379 = arith.constant 16 : index
        %get3A_380 = tpu.vector_load %arg6[%get3A_378, %get3A_379] {strides = array<i32>} : memref<104x64xf32, #tpu.memory_space<vmem>>, vector<16xf32>,
        %get3A_381 = arith.index_cast %add3A_375 : i32 to index
        %get3A_382 = arith.constant 32 : index
        %get3A_383 = tpu.vector_load %arg6[%get3A_381, %get3A_382] {strides = array<i32>} : memref<104x64xf32, #tpu.memory_space<vmem>>, vector<16xf32>,
        %get3A_384 = arith.index_cast %add3A_375 : i32 to index
        %get3A_385 = arith.constant 48 : index
        %get3A_386 = tpu.vector_load %arg6[%get3A_384, %get3A_385] {strides = array<i32>} : memref<104x64xf32, #tpu.memory_space<vmem>>, vector<16xf32>,
        %add3A_387 = arith.addf %scan3A_366, %get3A_377 : vector<16xf32>
        %add3A_388 = arith.addf %scan3A_367, %get3A_380 : vector<16xf32>
        %add3A_389 = arith.addf %scan3A_368, %get3A_383 : vector<16xf32>
        %add3A_390 = arith.addf %scan3A_369, %get3A_386 : vector<16xf32>
        %mul3A_391 = arith.mulf %get3A_377, %get3A_377 : vector<16xf32>
        %add3A_392 = arith.addf %scan3A_370, %mul3A_391 : vector<16xf32>
        %mul3A_393 = arith.mulf %get3A_380, %get3A_380 : vector<16xf32>
        %add3A_394 = arith.addf %scan3A_371, %mul3A_393 : vector<16xf32>
        %mul3A_395 = arith.mulf %get3A_383, %get3A_383 : vector<16xf32>
        %add3A_396 = arith.addf %scan3A_372, %mul3A_395 : vector<16xf32>
        %mul3A_397 = arith.mulf %get3A_386, %get3A_386 : vector<16xf32>
        %add3A_398 = arith.addf %scan3A_373, %mul3A_397 : vector<16xf32>
        scf.yield %add3A_387, %add3A_388, %add3A_389, %add3A_390, %add3A_392, %add3A_394, %add3A_396, %add3A_398 : vector<16xf32>, vector<16xf32>, vector<16xf32>, vector<16xf32>, vector<16xf32>, vector<16xf32>, vector<16xf32>, vector<16xf32>
      }
      %scan3A_114 = arith.constant 26 : i32
      %mul3A_115 = arith.constant 4 : i32
      %mul3A_116 = arith.muli %add3A_17, %mul3A_115 : i32
      %add3A_117 = arith.constant 2 : i32
      %add3A_118 = arith.addi %mul3A_116, %add3A_117 : i32
      %swap3A_119 = arith.index_cast %add3A_118 : i32 to index
      %swap3A_120 = arith.constant 0 : index
      %swap3A_121 = tpu.vector_load %arg8[%swap3A_119, %swap3A_120] {strides = array<i32>} : memref<128x128xf32, #tpu.memory_space<vmem>>, vector<16xf32>,
      tpu.vector_store %arg8[%swap3A_119, %swap3A_120], %scan3A_113#0 {strides = array<i32>} : memref<128x128xf32, #tpu.memory_space<vmem>>, vector<16xf32>,
      %swap3A_122 = arith.index_cast %add3A_118 : i32 to index
      %swap3A_123 = arith.constant 16 : index
      %swap3A_124 = tpu.vector_load %arg8[%swap3A_122, %swap3A_123] {strides = array<i32>} : memref<128x128xf32, #tpu.memory_space<vmem>>, vector<16xf32>,
      tpu.vector_store %arg8[%swap3A_122, %swap3A_123], %scan3A_113#1 {strides = array<i32>} : memref<128x128xf32, #tpu.memory_space<vmem>>, vector<16xf32>,
      %swap3A_125 = arith.index_cast %add3A_118 : i32 to index
      %swap3A_126 = arith.constant 32 : index
      %swap3A_127 = tpu.vector_load %arg8[%swap3A_125, %swap3A_126] {strides = array<i32>} : memref<128x128xf32, #tpu.memory_space<vmem>>, vector<16xf32>,
      tpu.vector_store %arg8[%swap3A_125, %swap3A_126], %scan3A_113#2 {strides = array<i32>} : memref<128x128xf32, #tpu.memory_space<vmem>>, vector<16xf32>,
      %swap3A_128 = arith.index_cast %add3A_118 : i32 to index
      %swap3A_129 = arith.constant 48 : index
      %swap3A_130 = tpu.vector_load %arg8[%swap3A_128, %swap3A_129] {strides = array<i32>} : memref<128x128xf32, #tpu.memory_space<vmem>>, vector<16xf32>,
      tpu.vector_store %arg8[%swap3A_128, %swap3A_129], %scan3A_113#3 {strides = array<i32>} : memref<128x128xf32, #tpu.memory_space<vmem>>, vector<16xf32>,
      %add3A_131 = arith.addf %scan3A_113#4, %scan3A_113#5 : vector<16xf32>
      %add3A_132 = arith.addf %scan3A_113#6, %scan3A_113#7 : vector<16xf32>
      %add3A_133 = arith.addf %add3A_131, %add3A_132 : vector<16xf32>
      %reduce_sum3A_134 = arith.constant true
      %reduce_sum3A_135 = vector.broadcast %reduce_sum3A_134 : i1 to vector<16xi1>
      %reduce_sum3A_136 = tpu.scan <sum>, %add3A_133 masked %reduce_sum3A_135 : vector<16xf32>, vector<16xi1> -> vector<16xf32>
      %reduce_sum3A_137 = vector.extract %reduce_sum3A_136[15] : f32 from vector<16xf32>
      %eq3A_138 = arith.constant 0 : i32
      %eq3A_139 = vector.broadcast %eq3A_138 : i32 to vector<16xi32>
      %eq3A_140 = arith.cmpi eq, %iota3A, %eq3A_139 : vector<16xi32>
      %jit3A_141 = arith.constant 0.000000e+00 : f32
      %broadcast_in_dim3A_142 = vector.broadcast %reduce_sum3A_137 : f32 to vector<16xf32>
      %broadcast_in_dim3A_143 = vector.broadcast %jit3A_141 : f32 to vector<16xf32>
      %select_n3A_144 = arith.select %eq3A_140, %broadcast_in_dim3A_142, %broadcast_in_dim3A_143 : vector<16xi1>, vector<16xf32>
      %swap3A_145 = arith.index_cast %add3A_118 : i32 to index
      %swap3A_146 = arith.constant 64 : index
      %swap3A_147 = tpu.vector_load %arg8[%swap3A_145, %swap3A_146] {strides = array<i32>} : memref<128x128xf32, #tpu.memory_space<vmem>>, vector<16xf32>,
      tpu.vector_store %arg8[%swap3A_145, %swap3A_146], %select_n3A_144 {strides = array<i32>} : memref<128x128xf32, #tpu.memory_space<vmem>>, vector<16xf32>,
      %broadcast_in_dim3A_148 = arith.constant 0.000000e+00 : f32
      %broadcast_in_dim3A_149 = vector.broadcast %broadcast_in_dim3A_148 : f32 to vector<16xf32>
      %scan3A_150 = arith.constant 0 : i32
      %scan3A_151 = arith.constant 26 : i32
      %scan3A_152 = arith.addi %scan3A_150, %scan3A_151 : i32
      %scan3A_153 = arith.constant 1 : i32
      %scan3A_154:8 = scf.for %scan3A_365 = %scan3A_150 to %scan3A_152 step %scan3A_153 iter_args(%scan3A_366 = %broadcast_in_dim3A_149, %scan3A_367 = %broadcast_in_dim3A_149, %scan3A_368 = %broadcast_in_dim3A_149, %scan3A_369 = %broadcast_in_dim3A_149, %scan3A_370 = %broadcast_in_dim3A_149, %scan3A_371 = %broadcast_in_dim3A_149, %scan3A_372 = %broadcast_in_dim3A_149, %scan3A_373 = %broadcast_in_dim3A_149) -> (vector<16xf32>, vector<16xf32>, vector<16xf32>, vector<16xf32>, vector<16xf32>, vector<16xf32>, vector<16xf32>, vector<16xf32>)  : i32 {
        %add3A_374 = arith.constant 78 : i32
        %add3A_375 = arith.addi %add3A_374, %scan3A_365 : i32
        %get3A = arith.index_cast %add3A_375 : i32 to index
        %get3A_376 = arith.constant 0 : index
        %get3A_377 = tpu.vector_load %arg6[%get3A, %get3A_376] {strides = array<i32>} : memref<104x64xf32, #tpu.memory_space<vmem>>, vector<16xf32>,
        %get3A_378 = arith.index_cast %add3A_375 : i32 to index
        %get3A_379 = arith.constant 16 : index
        %get3A_380 = tpu.vector_load %arg6[%get3A_378, %get3A_379] {strides = array<i32>} : memref<104x64xf32, #tpu.memory_space<vmem>>, vector<16xf32>,
        %get3A_381 = arith.index_cast %add3A_375 : i32 to index
        %get3A_382 = arith.constant 32 : index
        %get3A_383 = tpu.vector_load %arg6[%get3A_381, %get3A_382] {strides = array<i32>} : memref<104x64xf32, #tpu.memory_space<vmem>>, vector<16xf32>,
        %get3A_384 = arith.index_cast %add3A_375 : i32 to index
        %get3A_385 = arith.constant 48 : index
        %get3A_386 = tpu.vector_load %arg6[%get3A_384, %get3A_385] {strides = array<i32>} : memref<104x64xf32, #tpu.memory_space<vmem>>, vector<16xf32>,
        %add3A_387 = arith.addf %scan3A_366, %get3A_377 : vector<16xf32>
        %add3A_388 = arith.addf %scan3A_367, %get3A_380 : vector<16xf32>
        %add3A_389 = arith.addf %scan3A_368, %get3A_383 : vector<16xf32>
        %add3A_390 = arith.addf %scan3A_369, %get3A_386 : vector<16xf32>
        %mul3A_391 = arith.mulf %get3A_377, %get3A_377 : vector<16xf32>
        %add3A_392 = arith.addf %scan3A_370, %mul3A_391 : vector<16xf32>
        %mul3A_393 = arith.mulf %get3A_380, %get3A_380 : vector<16xf32>
        %add3A_394 = arith.addf %scan3A_371, %mul3A_393 : vector<16xf32>
        %mul3A_395 = arith.mulf %get3A_383, %get3A_383 : vector<16xf32>
        %add3A_396 = arith.addf %scan3A_372, %mul3A_395 : vector<16xf32>
        %mul3A_397 = arith.mulf %get3A_386, %get3A_386 : vector<16xf32>
        %add3A_398 = arith.addf %scan3A_373, %mul3A_397 : vector<16xf32>
        scf.yield %add3A_387, %add3A_388, %add3A_389, %add3A_390, %add3A_392, %add3A_394, %add3A_396, %add3A_398 : vector<16xf32>, vector<16xf32>, vector<16xf32>, vector<16xf32>, vector<16xf32>, vector<16xf32>, vector<16xf32>, vector<16xf32>
      }
      %scan3A_155 = arith.constant 26 : i32
      %mul3A_156 = arith.constant 4 : i32
      %mul3A_157 = arith.muli %add3A_17, %mul3A_156 : i32
      %add3A_158 = arith.constant 3 : i32
      %add3A_159 = arith.addi %mul3A_157, %add3A_158 : i32
      %swap3A_160 = arith.index_cast %add3A_159 : i32 to index
      %swap3A_161 = arith.constant 0 : index
      %swap3A_162 = tpu.vector_load %arg8[%swap3A_160, %swap3A_161] {strides = array<i32>} : memref<128x128xf32, #tpu.memory_space<vmem>>, vector<16xf32>,
      tpu.vector_store %arg8[%swap3A_160, %swap3A_161], %scan3A_154#0 {strides = array<i32>} : memref<128x128xf32, #tpu.memory_space<vmem>>, vector<16xf32>,
      %swap3A_163 = arith.index_cast %add3A_159 : i32 to index
      %swap3A_164 = arith.constant 16 : index
      %swap3A_165 = tpu.vector_load %arg8[%swap3A_163, %swap3A_164] {strides = array<i32>} : memref<128x128xf32, #tpu.memory_space<vmem>>, vector<16xf32>,
      tpu.vector_store %arg8[%swap3A_163, %swap3A_164], %scan3A_154#1 {strides = array<i32>} : memref<128x128xf32, #tpu.memory_space<vmem>>, vector<16xf32>,
      %swap3A_166 = arith.index_cast %add3A_159 : i32 to index
      %swap3A_167 = arith.constant 32 : index
      %swap3A_168 = tpu.vector_load %arg8[%swap3A_166, %swap3A_167] {strides = array<i32>} : memref<128x128xf32, #tpu.memory_space<vmem>>, vector<16xf32>,
      tpu.vector_store %arg8[%swap3A_166, %swap3A_167], %scan3A_154#2 {strides = array<i32>} : memref<128x128xf32, #tpu.memory_space<vmem>>, vector<16xf32>,
      %swap3A_169 = arith.index_cast %add3A_159 : i32 to index
      %swap3A_170 = arith.constant 48 : index
      %swap3A_171 = tpu.vector_load %arg8[%swap3A_169, %swap3A_170] {strides = array<i32>} : memref<128x128xf32, #tpu.memory_space<vmem>>, vector<16xf32>,
      tpu.vector_store %arg8[%swap3A_169, %swap3A_170], %scan3A_154#3 {strides = array<i32>} : memref<128x128xf32, #tpu.memory_space<vmem>>, vector<16xf32>,
      %add3A_172 = arith.addf %scan3A_154#4, %scan3A_154#5 : vector<16xf32>
      %add3A_173 = arith.addf %scan3A_154#6, %scan3A_154#7 : vector<16xf32>
      %add3A_174 = arith.addf %add3A_172, %add3A_173 : vector<16xf32>
      %reduce_sum3A_175 = arith.constant true
      %reduce_sum3A_176 = vector.broadcast %reduce_sum3A_175 : i1 to vector<16xi1>
      %reduce_sum3A_177 = tpu.scan <sum>, %add3A_174 masked %reduce_sum3A_176 : vector<16xf32>, vector<16xi1> -> vector<16xf32>
      %reduce_sum3A_178 = vector.extract %reduce_sum3A_177[15] : f32 from vector<16xf32>
      %eq3A_179 = arith.constant 0 : i32
      %eq3A_180 = vector.broadcast %eq3A_179 : i32 to vector<16xi32>
      %eq3A_181 = arith.cmpi eq, %iota3A, %eq3A_180 : vector<16xi32>
      %jit3A_182 = arith.constant 0.000000e+00 : f32
      %broadcast_in_dim3A_183 = vector.broadcast %reduce_sum3A_178 : f32 to vector<16xf32>
      %broadcast_in_dim3A_184 = vector.broadcast %jit3A_182 : f32 to vector<16xf32>
      %select_n3A_185 = arith.select %eq3A_181, %broadcast_in_dim3A_183, %broadcast_in_dim3A_184 : vector<16xi1>, vector<16xf32>
      %swap3A_186 = arith.index_cast %add3A_159 : i32 to index
      %swap3A_187 = arith.constant 64 : index
      %swap3A_188 = tpu.vector_load %arg8[%swap3A_186, %swap3A_187] {strides = array<i32>} : memref<128x128xf32, #tpu.memory_space<vmem>>, vector<16xf32>,
      tpu.vector_store %arg8[%swap3A_186, %swap3A_187], %select_n3A_185 {strides = array<i32>} : memref<128x128xf32, #tpu.memory_space<vmem>>, vector<16xf32>,
      %add3A_189 = arith.constant 2 : i32
      %add3A_190 = arith.addi %add3A_17, %add3A_189 : i32
      %lt3A = arith.constant 32 : i32
      %lt3A_191 = arith.cmpi slt, %add3A_190, %lt3A : i32
      %convert_element_type3A = arith.extui %lt3A_191 : i1 to i32
      %cond3A = arith.constant 0 : i32
      %cond3A_192 = arith.cmpi ne, %convert_element_type3A, %cond3A : i32
      scf.if %cond3A_192 {
        %add3A_365 = arith.constant 2 : i32
        %add3A_366 = arith.addi %add3A_17, %add3A_365 : i32
        %mul3A_367 = arith.constant 104 : i32
        %mul3A_368 = arith.muli %add3A_366, %mul3A_367 : i32
        %dma_start3A_369 = tpu.memref_slice %arg5[%mul3A_368] : memref<3328xi32, #tpu.memory_space<vmem>> -> memref<104xi32, #tpu.memory_space<vmem>>
        %dma_start3A_370 = arith.constant 0 : i32
        %dma_start3A_371 = arith.constant 0 : i32
        %dma_start3A_372 = tpu.memref_slice %arg2[%dma_start3A_370, %dma_start3A_371] : memref<100000x64xf32, #tpu.memory_space<hbm>> -> memref<100000x64xf32, #tpu.memory_space<hbm>>
        tpu.enqueue_indirect_dma source(%dma_start3A_372 : memref<100000x64xf32, #tpu.memory_space<hbm>>) target(%arg6 : memref<104x64xf32, #tpu.memory_space<vmem>>) offsets(%dma_start3A_369 : memref<104xi32, #tpu.memory_space<vmem>>) semaphore(%arg9 : memref<!tpu.dma_semaphore, #tpu.memory_space<semaphore_mem>>)
      } else {
      }
      %dma_wait3A_193 = arith.constant 0 : i32
      %dma_wait3A_194 = arith.constant 0 : i32
      %dma_wait3A_195 = tpu.memref_slice %arg2[%dma_wait3A_193, %dma_wait3A_194] : memref<100000x64xf32, #tpu.memory_space<hbm>> -> memref<104x64xf32, #tpu.memory_space<hbm>>
      %dma_wait3A_196 = arith.constant 0 : i32
      %dma_wait3A_197 = arith.constant 0 : i32
      %dma_wait3A_198 = tpu.memref_slice %arg2[%dma_wait3A_196, %dma_wait3A_197] : memref<100000x64xf32, #tpu.memory_space<hbm>> -> memref<104x64xf32, #tpu.memory_space<hbm>>
      tpu.wait_dma2 semaphore(%arg10 : memref<!tpu.dma_semaphore, #tpu.memory_space<semaphore_mem>>) src(%dma_wait3A_198 : memref<104x64xf32, #tpu.memory_space<hbm>>) dst(%arg7 : memref<104x64xf32, #tpu.memory_space<vmem>>)
      %add3A_199 = arith.constant 1 : i32
      %add3A_200 = arith.addi %add3A_17, %add3A_199 : i32
      %broadcast_in_dim3A_201 = arith.constant 0.000000e+00 : f32
      %broadcast_in_dim3A_202 = vector.broadcast %broadcast_in_dim3A_201 : f32 to vector<16xf32>
      %scan3A_203 = arith.constant 0 : i32
      %scan3A_204 = arith.constant 26 : i32
      %scan3A_205 = arith.addi %scan3A_203, %scan3A_204 : i32
      %scan3A_206 = arith.constant 1 : i32
      %scan3A_207:8 = scf.for %scan3A_365 = %scan3A_203 to %scan3A_205 step %scan3A_206 iter_args(%scan3A_366 = %broadcast_in_dim3A_202, %scan3A_367 = %broadcast_in_dim3A_202, %scan3A_368 = %broadcast_in_dim3A_202, %scan3A_369 = %broadcast_in_dim3A_202, %scan3A_370 = %broadcast_in_dim3A_202, %scan3A_371 = %broadcast_in_dim3A_202, %scan3A_372 = %broadcast_in_dim3A_202, %scan3A_373 = %broadcast_in_dim3A_202) -> (vector<16xf32>, vector<16xf32>, vector<16xf32>, vector<16xf32>, vector<16xf32>, vector<16xf32>, vector<16xf32>, vector<16xf32>)  : i32 {
        %add3A_374 = arith.constant 0 : i32
        %add3A_375 = arith.addi %add3A_374, %scan3A_365 : i32
        %get3A = arith.index_cast %add3A_375 : i32 to index
        %get3A_376 = arith.constant 0 : index
        %get3A_377 = tpu.vector_load %arg7[%get3A, %get3A_376] {strides = array<i32>} : memref<104x64xf32, #tpu.memory_space<vmem>>, vector<16xf32>,
        %get3A_378 = arith.index_cast %add3A_375 : i32 to index
        %get3A_379 = arith.constant 16 : index
        %get3A_380 = tpu.vector_load %arg7[%get3A_378, %get3A_379] {strides = array<i32>} : memref<104x64xf32, #tpu.memory_space<vmem>>, vector<16xf32>,
        %get3A_381 = arith.index_cast %add3A_375 : i32 to index
        %get3A_382 = arith.constant 32 : index
        %get3A_383 = tpu.vector_load %arg7[%get3A_381, %get3A_382] {strides = array<i32>} : memref<104x64xf32, #tpu.memory_space<vmem>>, vector<16xf32>,
        %get3A_384 = arith.index_cast %add3A_375 : i32 to index
        %get3A_385 = arith.constant 48 : index
        %get3A_386 = tpu.vector_load %arg7[%get3A_384, %get3A_385] {strides = array<i32>} : memref<104x64xf32, #tpu.memory_space<vmem>>, vector<16xf32>,
        %add3A_387 = arith.addf %scan3A_366, %get3A_377 : vector<16xf32>
        %add3A_388 = arith.addf %scan3A_367, %get3A_380 : vector<16xf32>
        %add3A_389 = arith.addf %scan3A_368, %get3A_383 : vector<16xf32>
        %add3A_390 = arith.addf %scan3A_369, %get3A_386 : vector<16xf32>
        %mul3A_391 = arith.mulf %get3A_377, %get3A_377 : vector<16xf32>
        %add3A_392 = arith.addf %scan3A_370, %mul3A_391 : vector<16xf32>
        %mul3A_393 = arith.mulf %get3A_380, %get3A_380 : vector<16xf32>
        %add3A_394 = arith.addf %scan3A_371, %mul3A_393 : vector<16xf32>
        %mul3A_395 = arith.mulf %get3A_383, %get3A_383 : vector<16xf32>
        %add3A_396 = arith.addf %scan3A_372, %mul3A_395 : vector<16xf32>
        %mul3A_397 = arith.mulf %get3A_386, %get3A_386 : vector<16xf32>
        %add3A_398 = arith.addf %scan3A_373, %mul3A_397 : vector<16xf32>
        scf.yield %add3A_387, %add3A_388, %add3A_389, %add3A_390, %add3A_392, %add3A_394, %add3A_396, %add3A_398 : vector<16xf32>, vector<16xf32>, vector<16xf32>, vector<16xf32>, vector<16xf32>, vector<16xf32>, vector<16xf32>, vector<16xf32>
      }
      %scan3A_208 = arith.constant 26 : i32
      %mul3A_209 = arith.constant 4 : i32
      %mul3A_210 = arith.muli %add3A_200, %mul3A_209 : i32
      %add3A_211 = arith.constant 0 : i32
      %add3A_212 = arith.addi %mul3A_210, %add3A_211 : i32
      %swap3A_213 = arith.index_cast %add3A_212 : i32 to index
      %swap3A_214 = arith.constant 0 : index
      %swap3A_215 = tpu.vector_load %arg8[%swap3A_213, %swap3A_214] {strides = array<i32>} : memref<128x128xf32, #tpu.memory_space<vmem>>, vector<16xf32>,
      tpu.vector_store %arg8[%swap3A_213, %swap3A_214], %scan3A_207#0 {strides = array<i32>} : memref<128x128xf32, #tpu.memory_space<vmem>>, vector<16xf32>,
      %swap3A_216 = arith.index_cast %add3A_212 : i32 to index
      %swap3A_217 = arith.constant 16 : index
      %swap3A_218 = tpu.vector_load %arg8[%swap3A_216, %swap3A_217] {strides = array<i32>} : memref<128x128xf32, #tpu.memory_space<vmem>>, vector<16xf32>,
      tpu.vector_store %arg8[%swap3A_216, %swap3A_217], %scan3A_207#1 {strides = array<i32>} : memref<128x128xf32, #tpu.memory_space<vmem>>, vector<16xf32>,
      %swap3A_219 = arith.index_cast %add3A_212 : i32 to index
      %swap3A_220 = arith.constant 32 : index
      %swap3A_221 = tpu.vector_load %arg8[%swap3A_219, %swap3A_220] {strides = array<i32>} : memref<128x128xf32, #tpu.memory_space<vmem>>, vector<16xf32>,
      tpu.vector_store %arg8[%swap3A_219, %swap3A_220], %scan3A_207#2 {strides = array<i32>} : memref<128x128xf32, #tpu.memory_space<vmem>>, vector<16xf32>,
      %swap3A_222 = arith.index_cast %add3A_212 : i32 to index
      %swap3A_223 = arith.constant 48 : index
      %swap3A_224 = tpu.vector_load %arg8[%swap3A_222, %swap3A_223] {strides = array<i32>} : memref<128x128xf32, #tpu.memory_space<vmem>>, vector<16xf32>,
      tpu.vector_store %arg8[%swap3A_222, %swap3A_223], %scan3A_207#3 {strides = array<i32>} : memref<128x128xf32, #tpu.memory_space<vmem>>, vector<16xf32>,
      %add3A_225 = arith.addf %scan3A_207#4, %scan3A_207#5 : vector<16xf32>
      %add3A_226 = arith.addf %scan3A_207#6, %scan3A_207#7 : vector<16xf32>
      %add3A_227 = arith.addf %add3A_225, %add3A_226 : vector<16xf32>
      %reduce_sum3A_228 = arith.constant true
      %reduce_sum3A_229 = vector.broadcast %reduce_sum3A_228 : i1 to vector<16xi1>
      %reduce_sum3A_230 = tpu.scan <sum>, %add3A_227 masked %reduce_sum3A_229 : vector<16xf32>, vector<16xi1> -> vector<16xf32>
      %reduce_sum3A_231 = vector.extract %reduce_sum3A_230[15] : f32 from vector<16xf32>
      %eq3A_232 = arith.constant 0 : i32
      %eq3A_233 = vector.broadcast %eq3A_232 : i32 to vector<16xi32>
      %eq3A_234 = arith.cmpi eq, %iota3A, %eq3A_233 : vector<16xi32>
      %jit3A_235 = arith.constant 0.000000e+00 : f32
      %broadcast_in_dim3A_236 = vector.broadcast %reduce_sum3A_231 : f32 to vector<16xf32>
      %broadcast_in_dim3A_237 = vector.broadcast %jit3A_235 : f32 to vector<16xf32>
      %select_n3A_238 = arith.select %eq3A_234, %broadcast_in_dim3A_236, %broadcast_in_dim3A_237 : vector<16xi1>, vector<16xf32>
      %swap3A_239 = arith.index_cast %add3A_212 : i32 to index
      %swap3A_240 = arith.constant 64 : index
      %swap3A_241 = tpu.vector_load %arg8[%swap3A_239, %swap3A_240] {strides = array<i32>} : memref<128x128xf32, #tpu.memory_space<vmem>>, vector<16xf32>,
      tpu.vector_store %arg8[%swap3A_239, %swap3A_240], %select_n3A_238 {strides = array<i32>} : memref<128x128xf32, #tpu.memory_space<vmem>>, vector<16xf32>,
      %broadcast_in_dim3A_242 = arith.constant 0.000000e+00 : f32
      %broadcast_in_dim3A_243 = vector.broadcast %broadcast_in_dim3A_242 : f32 to vector<16xf32>
      %scan3A_244 = arith.constant 0 : i32
      %scan3A_245 = arith.constant 26 : i32
      %scan3A_246 = arith.addi %scan3A_244, %scan3A_245 : i32
      %scan3A_247 = arith.constant 1 : i32
      %scan3A_248:8 = scf.for %scan3A_365 = %scan3A_244 to %scan3A_246 step %scan3A_247 iter_args(%scan3A_366 = %broadcast_in_dim3A_243, %scan3A_367 = %broadcast_in_dim3A_243, %scan3A_368 = %broadcast_in_dim3A_243, %scan3A_369 = %broadcast_in_dim3A_243, %scan3A_370 = %broadcast_in_dim3A_243, %scan3A_371 = %broadcast_in_dim3A_243, %scan3A_372 = %broadcast_in_dim3A_243, %scan3A_373 = %broadcast_in_dim3A_243) -> (vector<16xf32>, vector<16xf32>, vector<16xf32>, vector<16xf32>, vector<16xf32>, vector<16xf32>, vector<16xf32>, vector<16xf32>)  : i32 {
        %add3A_374 = arith.constant 26 : i32
        %add3A_375 = arith.addi %add3A_374, %scan3A_365 : i32
        %get3A = arith.index_cast %add3A_375 : i32 to index
        %get3A_376 = arith.constant 0 : index
        %get3A_377 = tpu.vector_load %arg7[%get3A, %get3A_376] {strides = array<i32>} : memref<104x64xf32, #tpu.memory_space<vmem>>, vector<16xf32>,
        %get3A_378 = arith.index_cast %add3A_375 : i32 to index
        %get3A_379 = arith.constant 16 : index
        %get3A_380 = tpu.vector_load %arg7[%get3A_378, %get3A_379] {strides = array<i32>} : memref<104x64xf32, #tpu.memory_space<vmem>>, vector<16xf32>,
        %get3A_381 = arith.index_cast %add3A_375 : i32 to index
        %get3A_382 = arith.constant 32 : index
        %get3A_383 = tpu.vector_load %arg7[%get3A_381, %get3A_382] {strides = array<i32>} : memref<104x64xf32, #tpu.memory_space<vmem>>, vector<16xf32>,
        %get3A_384 = arith.index_cast %add3A_375 : i32 to index
        %get3A_385 = arith.constant 48 : index
        %get3A_386 = tpu.vector_load %arg7[%get3A_384, %get3A_385] {strides = array<i32>} : memref<104x64xf32, #tpu.memory_space<vmem>>, vector<16xf32>,
        %add3A_387 = arith.addf %scan3A_366, %get3A_377 : vector<16xf32>
        %add3A_388 = arith.addf %scan3A_367, %get3A_380 : vector<16xf32>
        %add3A_389 = arith.addf %scan3A_368, %get3A_383 : vector<16xf32>
        %add3A_390 = arith.addf %scan3A_369, %get3A_386 : vector<16xf32>
        %mul3A_391 = arith.mulf %get3A_377, %get3A_377 : vector<16xf32>
        %add3A_392 = arith.addf %scan3A_370, %mul3A_391 : vector<16xf32>
        %mul3A_393 = arith.mulf %get3A_380, %get3A_380 : vector<16xf32>
        %add3A_394 = arith.addf %scan3A_371, %mul3A_393 : vector<16xf32>
        %mul3A_395 = arith.mulf %get3A_383, %get3A_383 : vector<16xf32>
        %add3A_396 = arith.addf %scan3A_372, %mul3A_395 : vector<16xf32>
        %mul3A_397 = arith.mulf %get3A_386, %get3A_386 : vector<16xf32>
        %add3A_398 = arith.addf %scan3A_373, %mul3A_397 : vector<16xf32>
        scf.yield %add3A_387, %add3A_388, %add3A_389, %add3A_390, %add3A_392, %add3A_394, %add3A_396, %add3A_398 : vector<16xf32>, vector<16xf32>, vector<16xf32>, vector<16xf32>, vector<16xf32>, vector<16xf32>, vector<16xf32>, vector<16xf32>
      }
      %scan3A_249 = arith.constant 26 : i32
      %mul3A_250 = arith.constant 4 : i32
      %mul3A_251 = arith.muli %add3A_200, %mul3A_250 : i32
      %add3A_252 = arith.constant 1 : i32
      %add3A_253 = arith.addi %mul3A_251, %add3A_252 : i32
      %swap3A_254 = arith.index_cast %add3A_253 : i32 to index
      %swap3A_255 = arith.constant 0 : index
      %swap3A_256 = tpu.vector_load %arg8[%swap3A_254, %swap3A_255] {strides = array<i32>} : memref<128x128xf32, #tpu.memory_space<vmem>>, vector<16xf32>,
      tpu.vector_store %arg8[%swap3A_254, %swap3A_255], %scan3A_248#0 {strides = array<i32>} : memref<128x128xf32, #tpu.memory_space<vmem>>, vector<16xf32>,
      %swap3A_257 = arith.index_cast %add3A_253 : i32 to index
      %swap3A_258 = arith.constant 16 : index
      %swap3A_259 = tpu.vector_load %arg8[%swap3A_257, %swap3A_258] {strides = array<i32>} : memref<128x128xf32, #tpu.memory_space<vmem>>, vector<16xf32>,
      tpu.vector_store %arg8[%swap3A_257, %swap3A_258], %scan3A_248#1 {strides = array<i32>} : memref<128x128xf32, #tpu.memory_space<vmem>>, vector<16xf32>,
      %swap3A_260 = arith.index_cast %add3A_253 : i32 to index
      %swap3A_261 = arith.constant 32 : index
      %swap3A_262 = tpu.vector_load %arg8[%swap3A_260, %swap3A_261] {strides = array<i32>} : memref<128x128xf32, #tpu.memory_space<vmem>>, vector<16xf32>,
      tpu.vector_store %arg8[%swap3A_260, %swap3A_261], %scan3A_248#2 {strides = array<i32>} : memref<128x128xf32, #tpu.memory_space<vmem>>, vector<16xf32>,
      %swap3A_263 = arith.index_cast %add3A_253 : i32 to index
      %swap3A_264 = arith.constant 48 : index
      %swap3A_265 = tpu.vector_load %arg8[%swap3A_263, %swap3A_264] {strides = array<i32>} : memref<128x128xf32, #tpu.memory_space<vmem>>, vector<16xf32>,
      tpu.vector_store %arg8[%swap3A_263, %swap3A_264], %scan3A_248#3 {strides = array<i32>} : memref<128x128xf32, #tpu.memory_space<vmem>>, vector<16xf32>,
      %add3A_266 = arith.addf %scan3A_248#4, %scan3A_248#5 : vector<16xf32>
      %add3A_267 = arith.addf %scan3A_248#6, %scan3A_248#7 : vector<16xf32>
      %add3A_268 = arith.addf %add3A_266, %add3A_267 : vector<16xf32>
      %reduce_sum3A_269 = arith.constant true
      %reduce_sum3A_270 = vector.broadcast %reduce_sum3A_269 : i1 to vector<16xi1>
      %reduce_sum3A_271 = tpu.scan <sum>, %add3A_268 masked %reduce_sum3A_270 : vector<16xf32>, vector<16xi1> -> vector<16xf32>
      %reduce_sum3A_272 = vector.extract %reduce_sum3A_271[15] : f32 from vector<16xf32>
      %eq3A_273 = arith.constant 0 : i32
      %eq3A_274 = vector.broadcast %eq3A_273 : i32 to vector<16xi32>
      %eq3A_275 = arith.cmpi eq, %iota3A, %eq3A_274 : vector<16xi32>
      %jit3A_276 = arith.constant 0.000000e+00 : f32
      %broadcast_in_dim3A_277 = vector.broadcast %reduce_sum3A_272 : f32 to vector<16xf32>
      %broadcast_in_dim3A_278 = vector.broadcast %jit3A_276 : f32 to vector<16xf32>
      %select_n3A_279 = arith.select %eq3A_275, %broadcast_in_dim3A_277, %broadcast_in_dim3A_278 : vector<16xi1>, vector<16xf32>
      %swap3A_280 = arith.index_cast %add3A_253 : i32 to index
      %swap3A_281 = arith.constant 64 : index
      %swap3A_282 = tpu.vector_load %arg8[%swap3A_280, %swap3A_281] {strides = array<i32>} : memref<128x128xf32, #tpu.memory_space<vmem>>, vector<16xf32>,
      tpu.vector_store %arg8[%swap3A_280, %swap3A_281], %select_n3A_279 {strides = array<i32>} : memref<128x128xf32, #tpu.memory_space<vmem>>, vector<16xf32>,
      %broadcast_in_dim3A_283 = arith.constant 0.000000e+00 : f32
      %broadcast_in_dim3A_284 = vector.broadcast %broadcast_in_dim3A_283 : f32 to vector<16xf32>
      %scan3A_285 = arith.constant 0 : i32
      %scan3A_286 = arith.constant 26 : i32
      %scan3A_287 = arith.addi %scan3A_285, %scan3A_286 : i32
      %scan3A_288 = arith.constant 1 : i32
      %scan3A_289:8 = scf.for %scan3A_365 = %scan3A_285 to %scan3A_287 step %scan3A_288 iter_args(%scan3A_366 = %broadcast_in_dim3A_284, %scan3A_367 = %broadcast_in_dim3A_284, %scan3A_368 = %broadcast_in_dim3A_284, %scan3A_369 = %broadcast_in_dim3A_284, %scan3A_370 = %broadcast_in_dim3A_284, %scan3A_371 = %broadcast_in_dim3A_284, %scan3A_372 = %broadcast_in_dim3A_284, %scan3A_373 = %broadcast_in_dim3A_284) -> (vector<16xf32>, vector<16xf32>, vector<16xf32>, vector<16xf32>, vector<16xf32>, vector<16xf32>, vector<16xf32>, vector<16xf32>)  : i32 {
        %add3A_374 = arith.constant 52 : i32
        %add3A_375 = arith.addi %add3A_374, %scan3A_365 : i32
        %get3A = arith.index_cast %add3A_375 : i32 to index
        %get3A_376 = arith.constant 0 : index
        %get3A_377 = tpu.vector_load %arg7[%get3A, %get3A_376] {strides = array<i32>} : memref<104x64xf32, #tpu.memory_space<vmem>>, vector<16xf32>,
        %get3A_378 = arith.index_cast %add3A_375 : i32 to index
        %get3A_379 = arith.constant 16 : index
        %get3A_380 = tpu.vector_load %arg7[%get3A_378, %get3A_379] {strides = array<i32>} : memref<104x64xf32, #tpu.memory_space<vmem>>, vector<16xf32>,
        %get3A_381 = arith.index_cast %add3A_375 : i32 to index
        %get3A_382 = arith.constant 32 : index
        %get3A_383 = tpu.vector_load %arg7[%get3A_381, %get3A_382] {strides = array<i32>} : memref<104x64xf32, #tpu.memory_space<vmem>>, vector<16xf32>,
        %get3A_384 = arith.index_cast %add3A_375 : i32 to index
        %get3A_385 = arith.constant 48 : index
        %get3A_386 = tpu.vector_load %arg7[%get3A_384, %get3A_385] {strides = array<i32>} : memref<104x64xf32, #tpu.memory_space<vmem>>, vector<16xf32>,
        %add3A_387 = arith.addf %scan3A_366, %get3A_377 : vector<16xf32>
        %add3A_388 = arith.addf %scan3A_367, %get3A_380 : vector<16xf32>
        %add3A_389 = arith.addf %scan3A_368, %get3A_383 : vector<16xf32>
        %add3A_390 = arith.addf %scan3A_369, %get3A_386 : vector<16xf32>
        %mul3A_391 = arith.mulf %get3A_377, %get3A_377 : vector<16xf32>
        %add3A_392 = arith.addf %scan3A_370, %mul3A_391 : vector<16xf32>
        %mul3A_393 = arith.mulf %get3A_380, %get3A_380 : vector<16xf32>
        %add3A_394 = arith.addf %scan3A_371, %mul3A_393 : vector<16xf32>
        %mul3A_395 = arith.mulf %get3A_383, %get3A_383 : vector<16xf32>
        %add3A_396 = arith.addf %scan3A_372, %mul3A_395 : vector<16xf32>
        %mul3A_397 = arith.mulf %get3A_386, %get3A_386 : vector<16xf32>
        %add3A_398 = arith.addf %scan3A_373, %mul3A_397 : vector<16xf32>
        scf.yield %add3A_387, %add3A_388, %add3A_389, %add3A_390, %add3A_392, %add3A_394, %add3A_396, %add3A_398 : vector<16xf32>, vector<16xf32>, vector<16xf32>, vector<16xf32>, vector<16xf32>, vector<16xf32>, vector<16xf32>, vector<16xf32>
      }
      %scan3A_290 = arith.constant 26 : i32
      %mul3A_291 = arith.constant 4 : i32
      %mul3A_292 = arith.muli %add3A_200, %mul3A_291 : i32
      %add3A_293 = arith.constant 2 : i32
      %add3A_294 = arith.addi %mul3A_292, %add3A_293 : i32
      %swap3A_295 = arith.index_cast %add3A_294 : i32 to index
      %swap3A_296 = arith.constant 0 : index
      %swap3A_297 = tpu.vector_load %arg8[%swap3A_295, %swap3A_296] {strides = array<i32>} : memref<128x128xf32, #tpu.memory_space<vmem>>, vector<16xf32>,
      tpu.vector_store %arg8[%swap3A_295, %swap3A_296], %scan3A_289#0 {strides = array<i32>} : memref<128x128xf32, #tpu.memory_space<vmem>>, vector<16xf32>,
      %swap3A_298 = arith.index_cast %add3A_294 : i32 to index
      %swap3A_299 = arith.constant 16 : index
      %swap3A_300 = tpu.vector_load %arg8[%swap3A_298, %swap3A_299] {strides = array<i32>} : memref<128x128xf32, #tpu.memory_space<vmem>>, vector<16xf32>,
      tpu.vector_store %arg8[%swap3A_298, %swap3A_299], %scan3A_289#1 {strides = array<i32>} : memref<128x128xf32, #tpu.memory_space<vmem>>, vector<16xf32>,
      %swap3A_301 = arith.index_cast %add3A_294 : i32 to index
      %swap3A_302 = arith.constant 32 : index
      %swap3A_303 = tpu.vector_load %arg8[%swap3A_301, %swap3A_302] {strides = array<i32>} : memref<128x128xf32, #tpu.memory_space<vmem>>, vector<16xf32>,
      tpu.vector_store %arg8[%swap3A_301, %swap3A_302], %scan3A_289#2 {strides = array<i32>} : memref<128x128xf32, #tpu.memory_space<vmem>>, vector<16xf32>,
      %swap3A_304 = arith.index_cast %add3A_294 : i32 to index
      %swap3A_305 = arith.constant 48 : index
      %swap3A_306 = tpu.vector_load %arg8[%swap3A_304, %swap3A_305] {strides = array<i32>} : memref<128x128xf32, #tpu.memory_space<vmem>>, vector<16xf32>,
      tpu.vector_store %arg8[%swap3A_304, %swap3A_305], %scan3A_289#3 {strides = array<i32>} : memref<128x128xf32, #tpu.memory_space<vmem>>, vector<16xf32>,
      %add3A_307 = arith.addf %scan3A_289#4, %scan3A_289#5 : vector<16xf32>
      %add3A_308 = arith.addf %scan3A_289#6, %scan3A_289#7 : vector<16xf32>
      %add3A_309 = arith.addf %add3A_307, %add3A_308 : vector<16xf32>
      %reduce_sum3A_310 = arith.constant true
      %reduce_sum3A_311 = vector.broadcast %reduce_sum3A_310 : i1 to vector<16xi1>
      %reduce_sum3A_312 = tpu.scan <sum>, %add3A_309 masked %reduce_sum3A_311 : vector<16xf32>, vector<16xi1> -> vector<16xf32>
      %reduce_sum3A_313 = vector.extract %reduce_sum3A_312[15] : f32 from vector<16xf32>
      %eq3A_314 = arith.constant 0 : i32
      %eq3A_315 = vector.broadcast %eq3A_314 : i32 to vector<16xi32>
      %eq3A_316 = arith.cmpi eq, %iota3A, %eq3A_315 : vector<16xi32>
      %jit3A_317 = arith.constant 0.000000e+00 : f32
      %broadcast_in_dim3A_318 = vector.broadcast %reduce_sum3A_313 : f32 to vector<16xf32>
      %broadcast_in_dim3A_319 = vector.broadcast %jit3A_317 : f32 to vector<16xf32>
      %select_n3A_320 = arith.select %eq3A_316, %broadcast_in_dim3A_318, %broadcast_in_dim3A_319 : vector<16xi1>, vector<16xf32>
      %swap3A_321 = arith.index_cast %add3A_294 : i32 to index
      %swap3A_322 = arith.constant 64 : index
      %swap3A_323 = tpu.vector_load %arg8[%swap3A_321, %swap3A_322] {strides = array<i32>} : memref<128x128xf32, #tpu.memory_space<vmem>>, vector<16xf32>,
      tpu.vector_store %arg8[%swap3A_321, %swap3A_322], %select_n3A_320 {strides = array<i32>} : memref<128x128xf32, #tpu.memory_space<vmem>>, vector<16xf32>,
      %broadcast_in_dim3A_324 = arith.constant 0.000000e+00 : f32
      %broadcast_in_dim3A_325 = vector.broadcast %broadcast_in_dim3A_324 : f32 to vector<16xf32>
      %scan3A_326 = arith.constant 0 : i32
      %scan3A_327 = arith.constant 26 : i32
      %scan3A_328 = arith.addi %scan3A_326, %scan3A_327 : i32
      %scan3A_329 = arith.constant 1 : i32
      %scan3A_330:8 = scf.for %scan3A_365 = %scan3A_326 to %scan3A_328 step %scan3A_329 iter_args(%scan3A_366 = %broadcast_in_dim3A_325, %scan3A_367 = %broadcast_in_dim3A_325, %scan3A_368 = %broadcast_in_dim3A_325, %scan3A_369 = %broadcast_in_dim3A_325, %scan3A_370 = %broadcast_in_dim3A_325, %scan3A_371 = %broadcast_in_dim3A_325, %scan3A_372 = %broadcast_in_dim3A_325, %scan3A_373 = %broadcast_in_dim3A_325) -> (vector<16xf32>, vector<16xf32>, vector<16xf32>, vector<16xf32>, vector<16xf32>, vector<16xf32>, vector<16xf32>, vector<16xf32>)  : i32 {
        %add3A_374 = arith.constant 78 : i32
        %add3A_375 = arith.addi %add3A_374, %scan3A_365 : i32
        %get3A = arith.index_cast %add3A_375 : i32 to index
        %get3A_376 = arith.constant 0 : index
        %get3A_377 = tpu.vector_load %arg7[%get3A, %get3A_376] {strides = array<i32>} : memref<104x64xf32, #tpu.memory_space<vmem>>, vector<16xf32>,
        %get3A_378 = arith.index_cast %add3A_375 : i32 to index
        %get3A_379 = arith.constant 16 : index
        %get3A_380 = tpu.vector_load %arg7[%get3A_378, %get3A_379] {strides = array<i32>} : memref<104x64xf32, #tpu.memory_space<vmem>>, vector<16xf32>,
        %get3A_381 = arith.index_cast %add3A_375 : i32 to index
        %get3A_382 = arith.constant 32 : index
        %get3A_383 = tpu.vector_load %arg7[%get3A_381, %get3A_382] {strides = array<i32>} : memref<104x64xf32, #tpu.memory_space<vmem>>, vector<16xf32>,
        %get3A_384 = arith.index_cast %add3A_375 : i32 to index
        %get3A_385 = arith.constant 48 : index
        %get3A_386 = tpu.vector_load %arg7[%get3A_384, %get3A_385] {strides = array<i32>} : memref<104x64xf32, #tpu.memory_space<vmem>>, vector<16xf32>,
        %add3A_387 = arith.addf %scan3A_366, %get3A_377 : vector<16xf32>
        %add3A_388 = arith.addf %scan3A_367, %get3A_380 : vector<16xf32>
        %add3A_389 = arith.addf %scan3A_368, %get3A_383 : vector<16xf32>
        %add3A_390 = arith.addf %scan3A_369, %get3A_386 : vector<16xf32>
        %mul3A_391 = arith.mulf %get3A_377, %get3A_377 : vector<16xf32>
        %add3A_392 = arith.addf %scan3A_370, %mul3A_391 : vector<16xf32>
        %mul3A_393 = arith.mulf %get3A_380, %get3A_380 : vector<16xf32>
        %add3A_394 = arith.addf %scan3A_371, %mul3A_393 : vector<16xf32>
        %mul3A_395 = arith.mulf %get3A_383, %get3A_383 : vector<16xf32>
        %add3A_396 = arith.addf %scan3A_372, %mul3A_395 : vector<16xf32>
        %mul3A_397 = arith.mulf %get3A_386, %get3A_386 : vector<16xf32>
        %add3A_398 = arith.addf %scan3A_373, %mul3A_397 : vector<16xf32>
        scf.yield %add3A_387, %add3A_388, %add3A_389, %add3A_390, %add3A_392, %add3A_394, %add3A_396, %add3A_398 : vector<16xf32>, vector<16xf32>, vector<16xf32>, vector<16xf32>, vector<16xf32>, vector<16xf32>, vector<16xf32>, vector<16xf32>
      }
      %scan3A_331 = arith.constant 26 : i32
      %mul3A_332 = arith.constant 4 : i32
      %mul3A_333 = arith.muli %add3A_200, %mul3A_332 : i32
      %add3A_334 = arith.constant 3 : i32
      %add3A_335 = arith.addi %mul3A_333, %add3A_334 : i32
      %swap3A_336 = arith.index_cast %add3A_335 : i32 to index
      %swap3A_337 = arith.constant 0 : index
      %swap3A_338 = tpu.vector_load %arg8[%swap3A_336, %swap3A_337] {strides = array<i32>} : memref<128x128xf32, #tpu.memory_space<vmem>>, vector<16xf32>,
      tpu.vector_store %arg8[%swap3A_336, %swap3A_337], %scan3A_330#0 {strides = array<i32>} : memref<128x128xf32, #tpu.memory_space<vmem>>, vector<16xf32>,
      %swap3A_339 = arith.index_cast %add3A_335 : i32 to index
      %swap3A_340 = arith.constant 16 : index
      %swap3A_341 = tpu.vector_load %arg8[%swap3A_339, %swap3A_340] {strides = array<i32>} : memref<128x128xf32, #tpu.memory_space<vmem>>, vector<16xf32>,
      tpu.vector_store %arg8[%swap3A_339, %swap3A_340], %scan3A_330#1 {strides = array<i32>} : memref<128x128xf32, #tpu.memory_space<vmem>>, vector<16xf32>,
      %swap3A_342 = arith.index_cast %add3A_335 : i32 to index
      %swap3A_343 = arith.constant 32 : index
      %swap3A_344 = tpu.vector_load %arg8[%swap3A_342, %swap3A_343] {strides = array<i32>} : memref<128x128xf32, #tpu.memory_space<vmem>>, vector<16xf32>,
      tpu.vector_store %arg8[%swap3A_342, %swap3A_343], %scan3A_330#2 {strides = array<i32>} : memref<128x128xf32, #tpu.memory_space<vmem>>, vector<16xf32>,
      %swap3A_345 = arith.index_cast %add3A_335 : i32 to index
      %swap3A_346 = arith.constant 48 : index
      %swap3A_347 = tpu.vector_load %arg8[%swap3A_345, %swap3A_346] {strides = array<i32>} : memref<128x128xf32, #tpu.memory_space<vmem>>, vector<16xf32>,
      tpu.vector_store %arg8[%swap3A_345, %swap3A_346], %scan3A_330#3 {strides = array<i32>} : memref<128x128xf32, #tpu.memory_space<vmem>>, vector<16xf32>,
      %add3A_348 = arith.addf %scan3A_330#4, %scan3A_330#5 : vector<16xf32>
      %add3A_349 = arith.addf %scan3A_330#6, %scan3A_330#7 : vector<16xf32>
      %add3A_350 = arith.addf %add3A_348, %add3A_349 : vector<16xf32>
      %reduce_sum3A_351 = arith.constant true
      %reduce_sum3A_352 = vector.broadcast %reduce_sum3A_351 : i1 to vector<16xi1>
      %reduce_sum3A_353 = tpu.scan <sum>, %add3A_350 masked %reduce_sum3A_352 : vector<16xf32>, vector<16xi1> -> vector<16xf32>
      %reduce_sum3A_354 = vector.extract %reduce_sum3A_353[15] : f32 from vector<16xf32>
      %eq3A_355 = arith.constant 0 : i32
      %eq3A_356 = vector.broadcast %eq3A_355 : i32 to vector<16xi32>
      %eq3A_357 = arith.cmpi eq, %iota3A, %eq3A_356 : vector<16xi32>
      %jit3A_358 = arith.constant 0.000000e+00 : f32
      %broadcast_in_dim3A_359 = vector.broadcast %reduce_sum3A_354 : f32 to vector<16xf32>
      %broadcast_in_dim3A_360 = vector.broadcast %jit3A_358 : f32 to vector<16xf32>
      %select_n3A_361 = arith.select %eq3A_357, %broadcast_in_dim3A_359, %broadcast_in_dim3A_360 : vector<16xi1>, vector<16xf32>
      %swap3A_362 = arith.index_cast %add3A_335 : i32 to index
      %swap3A_363 = arith.constant 64 : index
      %swap3A_364 = tpu.vector_load %arg8[%swap3A_362, %swap3A_363] {strides = array<i32>} : memref<128x128xf32, #tpu.memory_space<vmem>>, vector<16xf32>,
      tpu.vector_store %arg8[%swap3A_362, %swap3A_363], %select_n3A_361 {strides = array<i32>} : memref<128x128xf32, #tpu.memory_space<vmem>>, vector<16xf32>,
    }
    %scan3A_12 = arith.constant 16 : i32
    "tpu.region"() ({
      %run_scoped3A = tpu.sem_alloc : memref<!tpu.dma_semaphore, #tpu.memory_space<semaphore_mem>>
      %dma_start3A_13 = arith.constant 0 : i32
      %dma_start3A_14 = tpu.memref_slice %arg4[%mul3A_4, %dma_start3A_13] : memref<4096x128xf32, #tpu.memory_space<hbm>> -> memref<128x128xf32, #tpu.memory_space<hbm>>
      %dma_start3A_15 = arith.constant 0 : i32
      %dma_start3A_16 = tpu.memref_slice %arg4[%mul3A_4, %dma_start3A_15] : memref<4096x128xf32, #tpu.memory_space<hbm>> -> memref<128x128xf32, #tpu.memory_space<hbm>>
      tpu.enqueue_dma source(%arg8 : memref<128x128xf32, #tpu.memory_space<vmem>>) target(%dma_start3A_16 : memref<128x128xf32, #tpu.memory_space<hbm>>) target_semaphore(%run_scoped3A : memref<!tpu.dma_semaphore, #tpu.memory_space<semaphore_mem>>)
      %dma_wait3A = arith.constant 0 : i32
      %dma_wait3A_17 = tpu.memref_slice %arg4[%mul3A_4, %dma_wait3A] : memref<4096x128xf32, #tpu.memory_space<hbm>> -> memref<128x128xf32, #tpu.memory_space<hbm>>
      %dma_wait3A_18 = arith.constant 0 : i32
      %dma_wait3A_19 = tpu.memref_slice %arg4[%mul3A_4, %dma_wait3A_18] : memref<4096x128xf32, #tpu.memory_space<hbm>> -> memref<128x128xf32, #tpu.memory_space<hbm>>
      tpu.wait_dma2 semaphore(%run_scoped3A : memref<!tpu.dma_semaphore, #tpu.memory_space<semaphore_mem>>) src(%arg8 : memref<128x128xf32, #tpu.memory_space<vmem>>) dst(%dma_wait3A_19 : memref<128x128xf32, #tpu.memory_space<hbm>>)
      tpu.yield
    }) : () -> ()
    return
  }
}

module attributes {stable_mosaic.version = 14 : i64} {
  func.func @_tc_body(%arg0: memref<4096x128xf32, #tpu.memory_space<vmem>>, %arg1: memref<4096x1xf32, #tpu.memory_space<vmem>>, %arg2: memref<1x1xf32, #tpu.memory_space<vmem>>, %arg3: memref<64x256xf32, #tpu.memory_space<vmem>>, %arg4: memref<1x256xf32, #tpu.memory_space<vmem>>, %arg5: memref<256x128xf32, #tpu.memory_space<vmem>>, %arg6: memref<1x128xf32, #tpu.memory_space<vmem>>, %arg7: memref<128x1xf32, #tpu.memory_space<vmem>>, %arg8: memref<1x1xf32, #tpu.memory_space<vmem>>, %arg9: memref<4096x1xf32, #tpu.memory_space<vmem>>) attributes {dimension_semantics = [], scalar_prefetch = 0 : i64, scratch_operands = 0 : i64, tpu.core_type = #tpu.core_type<tc>} {
    %get3A = arith.constant 0 : index
    %get3A_0 = arith.constant 0 : index
    %get3A_1 = vector.load %arg0[%get3A, %get3A_0] : memref<4096x128xf32, #tpu.memory_space<vmem>>, vector<4096x128xf32>
    %slice3A = vector.extract_strided_slice %get3A_1 {offsets = [0, 0], sizes = [4096, 64], strides = [1, 1]} : vector<4096x128xf32> to vector<4096x64xf32>
    %mul3A = arith.mulf %slice3A, %slice3A : vector<4096x64xf32>
    %reduce_sum3A = arith.constant dense<0.000000e+00> : vector<4096xf32>
    %reduce_sum3A_2 = vector.multi_reduction <add>, %mul3A, %reduce_sum3A [1] : vector<4096x64xf32> to vector<4096xf32>
    %broadcast_in_dim3A = vector.shape_cast %reduce_sum3A_2 : vector<4096xf32> to vector<4096x1xf32>
    %slice3A_3 = vector.extract_strided_slice %get3A_1 {offsets = [0, 64], sizes = [4096, 1], strides = [1, 1]} : vector<4096x128xf32> to vector<4096x1xf32>
    %add3A = arith.addf %broadcast_in_dim3A, %slice3A_3 : vector<4096x1xf32>
    %mul3A_4 = arith.constant 1.562500e-02 : f32
    %mul3A_5 = vector.broadcast %mul3A_4 : f32 to vector<4096x1xf32>
    %mul3A_6 = arith.mulf %add3A, %mul3A_5 : vector<4096x1xf32>
    %get3A_7 = arith.constant 0 : index
    %get3A_8 = arith.constant 0 : index
    %get3A_9 = vector.load %arg1[%get3A_7, %get3A_8] : memref<4096x1xf32, #tpu.memory_space<vmem>>, vector<4096x1xf32>
    %get3A_10 = arith.constant 0 : index
    %get3A_11 = arith.constant 0 : index
    %get3A_12 = vector.load %arg2[%get3A_10, %get3A_11] : memref<1x1xf32, #tpu.memory_space<vmem>>, vector<1x1xf32>
    %add3A_13 = vector.broadcast %get3A_12 : vector<1x1xf32> to vector<4096x1xf32>
    %add3A_14 = arith.addf %get3A_9, %add3A_13 : vector<4096x1xf32>
    %mul3A_15 = arith.constant 0.0384615399 : f32
    %mul3A_16 = vector.broadcast %mul3A_15 : f32 to vector<4096x64xf32>
    %mul3A_17 = arith.mulf %slice3A, %mul3A_16 : vector<4096x64xf32>
    %get3A_18 = arith.constant 0 : index
    %get3A_19 = arith.constant 0 : index
    %get3A_20 = vector.load %arg3[%get3A_18, %get3A_19] : memref<64x256xf32, #tpu.memory_space<vmem>>, vector<64x256xf32>
    %dot_general3A = arith.constant dense<0.000000e+00> : vector<4096x256xf32>
    %dot_general3A_21 = tpu.matmul %mul3A_17, %get3A_20, %dot_general3A {dimension_numbers = #tpu.dot_dimension_numbers<[1], [0], [0], [1], [0, 0, 1, 1], [], []>, transpose_lhs_hint = false} : vector<4096x64xf32>, vector<64x256xf32>, vector<4096x256xf32> -> vector<4096x256xf32>
    %get3A_22 = arith.constant 0 : index
    %get3A_23 = arith.constant 0 : index
    %get3A_24 = vector.load %arg4[%get3A_22, %get3A_23] : memref<1x256xf32, #tpu.memory_space<vmem>>, vector<1x256xf32>
    %add3A_25 = vector.broadcast %get3A_24 : vector<1x256xf32> to vector<4096x256xf32>
    %add3A_26 = arith.addf %dot_general3A_21, %add3A_25 : vector<4096x256xf32>
    %ge3A = arith.constant 0.000000e+00 : f32
    %ge3A_27 = vector.broadcast %ge3A : f32 to vector<4096x256xf32>
    %ge3A_28 = arith.cmpf oge, %add3A_26, %ge3A_27 : vector<4096x256xf32>
    %mul3A_29 = arith.constant 0.00999999977 : f32
    %mul3A_30 = vector.broadcast %mul3A_29 : f32 to vector<4096x256xf32>
    %mul3A_31 = arith.mulf %mul3A_30, %add3A_26 : vector<4096x256xf32>
    %select_n3A = arith.select %ge3A_28, %add3A_26, %mul3A_31 : vector<4096x256xi1>, vector<4096x256xf32>
    %get3A_32 = arith.constant 0 : index
    %get3A_33 = arith.constant 0 : index
    %get3A_34 = vector.load %arg5[%get3A_32, %get3A_33] : memref<256x128xf32, #tpu.memory_space<vmem>>, vector<256x128xf32>
    %dot_general3A_35 = arith.constant dense<0.000000e+00> : vector<4096x128xf32>
    %dot_general3A_36 = tpu.matmul %select_n3A, %get3A_34, %dot_general3A_35 {dimension_numbers = #tpu.dot_dimension_numbers<[1], [0], [0], [1], [0, 0, 1, 1], [], []>, transpose_lhs_hint = false} : vector<4096x256xf32>, vector<256x128xf32>, vector<4096x128xf32> -> vector<4096x128xf32>
    %get3A_37 = arith.constant 0 : index
    %get3A_38 = arith.constant 0 : index
    %get3A_39 = vector.load %arg6[%get3A_37, %get3A_38] : memref<1x128xf32, #tpu.memory_space<vmem>>, vector<1x128xf32>
    %add3A_40 = vector.broadcast %get3A_39 : vector<1x128xf32> to vector<4096x128xf32>
    %add3A_41 = arith.addf %dot_general3A_36, %add3A_40 : vector<4096x128xf32>
    %ge3A_42 = arith.constant 0.000000e+00 : f32
    %ge3A_43 = vector.broadcast %ge3A_42 : f32 to vector<4096x128xf32>
    %ge3A_44 = arith.cmpf oge, %add3A_41, %ge3A_43 : vector<4096x128xf32>
    %mul3A_45 = arith.constant 0.00999999977 : f32
    %mul3A_46 = vector.broadcast %mul3A_45 : f32 to vector<4096x128xf32>
    %mul3A_47 = arith.mulf %mul3A_46, %add3A_41 : vector<4096x128xf32>
    %select_n3A_48 = arith.select %ge3A_44, %add3A_41, %mul3A_47 : vector<4096x128xi1>, vector<4096x128xf32>
    %get3A_49 = arith.constant 0 : index
    %get3A_50 = arith.constant 0 : index
    %get3A_51 = vector.load %arg7[%get3A_49, %get3A_50] : memref<128x1xf32, #tpu.memory_space<vmem>>, vector<128x1xf32>
    %dot_general3A_52 = arith.constant dense<0.000000e+00> : vector<4096x1xf32>
    %dot_general3A_53 = tpu.matmul %select_n3A_48, %get3A_51, %dot_general3A_52 {dimension_numbers = #tpu.dot_dimension_numbers<[1], [0], [0], [1], [0, 0, 1, 1], [], []>, transpose_lhs_hint = false} : vector<4096x128xf32>, vector<128x1xf32>, vector<4096x1xf32> -> vector<4096x1xf32>
    %get3A_54 = arith.constant 0 : index
    %get3A_55 = arith.constant 0 : index
    %get3A_56 = vector.load %arg8[%get3A_54, %get3A_55] : memref<1x1xf32, #tpu.memory_space<vmem>>, vector<1x1xf32>
    %add3A_57 = vector.broadcast %get3A_56 : vector<1x1xf32> to vector<4096x1xf32>
    %add3A_58 = arith.addf %dot_general3A_53, %add3A_57 : vector<4096x1xf32>
    %mul3A_59 = arith.constant 5.000000e-01 : f32
    %mul3A_60 = vector.broadcast %mul3A_59 : f32 to vector<4096x1xf32>
    %mul3A_61 = arith.mulf %mul3A_60, %mul3A_6 : vector<4096x1xf32>
    %add3A_62 = arith.addf %add3A_14, %mul3A_61 : vector<4096x1xf32>
    %add3A_63 = arith.addf %add3A_62, %add3A_58 : vector<4096x1xf32>
    %swap3A = arith.constant 0 : index
    %swap3A_64 = arith.constant 0 : index
    %swap3A_65 = vector.load %arg9[%swap3A, %swap3A_64] : memref<4096x1xf32, #tpu.memory_space<vmem>>, vector<4096x1xf32>
    tpu.vector_store %arg9[%swap3A, %swap3A_64], %add3A_63 {strides = array<i32>} : memref<4096x1xf32, #tpu.memory_space<vmem>>, vector<4096x1xf32>,
    return
  }
}

</mosaic_0001>

<sc_bundles>
// kernel: kernel.5.cloned.1.call-start
scs
__scs_entry_jumppad:
0x0: {  	(pc) =	sbr.rel $0x88, $3  }
0x1: {  	(tag) =	ssettag $0x0;
	lr =	simm.s32 $0x1  }
0x2: {  	[smem:$0x3F97] =	sst lr;
	_ =	strace $0xD0000000  }
0x3: {  	_ = 	snop  }
0x4: {  	_ = 	snop  }
0x5: {  	_ = 	snop  }
0x6: {  	_ = 	snop  }
0x7: {  	_ = 	snop  }
__scs_overlays_trampoline_lowered:
0x8: {  	[smem:$0x3FA6] =	sst s0  }
0x9: {  	[smem:$0x3FA7] =	sst s1  }
0xa: {  	[smem:$0x3FA8] =	sst s2  }
0xb: {  	[smem:$0x3FA9] =	sst s3  }
0xc: {  	[smem:$0x3FAA] =	sst s4  }
0xd: {  	[smem:$0x3FAB] =	sst s5  }
0xe: {  	[smem:$0x3FAC] =	sst s6  }
0xf: {  	[smem:$0x3FAD] =	sst s7  }
0x10: {  	[smem:$0x3FAE] =	sst s8  }
0x11: {  	[smem:$0x3FAF] =	sst s9;
	s0 =	simm.s32 @!p0 $0x0  }
0x12: {  	s1 =	sld [smem:$0x3F95];
	s0 =	simm.s32 @p0 $0x1  }
0x13: {  	[smem:$0x3FB0] =	sst s0;
	s0 =	simm.s32 @!p1 $0x0  }
0x14: {  	s2 =	sld [smem:$0x3F94];
	s0 =	simm.s32 @p1 $0x1  }
0x15: {  	[smem:$0x3FB1] =	sst s0;
	s0 =	simm.s32 @!p2 $0x0  }
0x16: {  	s3 =	sld [smem:$0x3FDB];
	s0 =	simm.s32 @p2 $0x1  }
0x17: {  	s4 =	simm.s32 $0x1BF5;
	[smem:$0x3FB3] =	sst s0  }
0x18: {  	s0 =	sld [smem:$0x3F96];
	_ =	swait.ge [sflag:s4], $0x0  }
0x19: {  	s7 =	sld [smem:$0x3F97]  }
0x1a: {  	s8 =	sadd.s32 $0xFFFFE003, lr  }
0x1b: {  	s9 =	sadd.s32 $0xFFFFFEF7, lr;
	s5 =	simm.s32 $0xFFFFFFFF;
	p2 =	slt.u32 s8, $0xFFFFF086  }
0x1c: {  	p1 =	slt.u32 s9, $0xF7A;
	s5 =	simm.s32 @!p2 $0x0  }
0x1d: {  	s5 =	simm.s32 @p1 $0x1;
	p0 =	seq.s32 s7, s2  }
0x1e: {  	s7 =	smul.u32 @!p0 $0xF7A, s2;
	p2 =	seq.s32 @!p0 s5, $0x0  }
0x1f: {  	s9 =	smul.u32 $0xF7A, s1;
	s8 =	simm.s32 @!p0 $0x1BF5;
	p2 =	por !p2, p0  }
0x20: {  	[sflag:s8] =	ssyncset.s32 @!p0 $0xFFFFF086;
	s6 =	sadd.s32 @!p0 s3, s7;
	s7 =	simm.s32 @!p0 $0x108  }
0x21: {  	s3 =	sadd.s32 s3, s9;
	s6 =	sadd.s32 @!p0 $0x88, s6;
	s7 =	simm.s32 @p2 $0x1082  }
0x22: {  	[simem:s7], [sflag:s8] =	dma.local @!p0 [hbm:s6], $0xF7A  }
0x23: {  	s9 =	sor.u32 $0xD0000000, s2;
	s6 =	simm.s32 $0x108;
	_ =	swait.ge @!p0 [sflag:s8], $0x0  }
0x24: {  	s3 =	sadd.s32 $0x88, s3;
	s6 =	simm.s32 @!p1 $0x1082;
	[sflag:s4] =	ssyncset.s32 $0xFFFFF086  }
0x25: {  	[simem:s6], [sflag:s4] =	dma.local [hbm:s3], $0xF7A  }
0x26: {  	[smem:$0x3F97] =	sst s1;
	(tag) =	ssettag s2;
	_ =	strace s9  }
0x27: {  	s1 =	sld [smem:$0x3FA7]  }
0x28: {  	s2 =	sld [smem:$0x3FA8]  }
0x29: {  	s4 =	sld [smem:$0x3FAA]  }
0x2a: {  	p0 =	seq.s32 s5, $0x0;
	s5 =	sld [smem:$0x3FAB]  }
0x2b: {  	s6 =	sld [smem:$0x3FAC]  }
0x2c: {  	s7 =	sld [smem:$0x3FAD]  }
0x2d: {  	s3 =	simm.s32 $0x108;
	s8 =	sld [smem:$0x3FAE]  }
0x2e: {  	s3 =	simm.s32 @!p0 $0x1082;
	s9 =	sld [smem:$0x3FAF]  }
0x2f: {  	lr =	sadd.s32 s0, s3;
	s0 =	sld [smem:$0x3FA6]  }
0x30: {  	s3 =	sld [smem:$0x3FA9]  }
0x31: {  	[smem:$0x3FB2] =	sst s10  }
0x32: {  	s10 =	sld [smem:$0x3FB0];
	_ =	sdelay $0x3  }
0x33: {  	p0 =	seq.s32 s10, $0x1;
	s10 =	sld [smem:$0x3FB2];
	_ =	sdelay $0x3  }
0x34: {  	[smem:$0x3FB2] =	sst s10  }
0x35: {  	s10 =	sld [smem:$0x3FB1];
	_ =	sdelay $0x3  }
0x36: {  	p1 =	seq.s32 s10, $0x1;
	s10 =	sld [smem:$0x3FB2];
	_ =	sdelay $0x3  }
0x37: {  	[smem:$0x3FB2] =	sst s10  }
0x38: {  	s10 =	sld [smem:$0x3FB3]  }
0x39: {  	_ = 	snop;
	(pc) =	sbr.ind lr, $3  }
0x3a: {  	_ = 	snop  }
0x3b: {  	_ = 	snop  }
0x3c: {  	p2 =	seq.s32 s10, $0x1;
	s10 =	sld [smem:$0x3FB2]  }
0x3d: {  	_ =	shalt  }
0x3e: {  	_ =	shalt  }
0x3f: {  	_ =	shalt  }
0x40: {  	_ =	shalt  }
0x41: {  	_ =	shalt  }
0x42: {  	_ =	shalt  }
0x43: {  	_ =	shalt  }
0x44: {  	_ =	shalt  }
0x45: {  	_ =	shalt  }
0x46: {  	_ =	shalt  }
0x47: {  	_ =	shalt  }
0x48: {  	_ =	shalt  }
0x49: {  	_ =	shalt  }
0x4a: {  	_ =	shalt  }
0x4b: {  	_ =	shalt  }
0x4c: {  	_ =	shalt  }
0x4d: {  	_ =	shalt  }
0x4e: {  	_ =	shalt  }
0x4f: {  	_ =	shalt  }
0x50: {  	_ =	shalt  }
0x51: {  	_ =	shalt  }
0x52: {  	_ =	shalt  }
0x53: {  	_ =	shalt  }
0x54: {  	_ =	shalt  }
0x55: {  	_ =	shalt  }
0x56: {  	_ =	shalt  }
0x57: {  	_ =	shalt  }
0x58: {  	_ =	shalt  }
0x59: {  	_ =	shalt  }
0x5a: {  	_ =	shalt  }
0x5b: {  	_ =	shalt  }
0x5c: {  	_ =	shalt  }
0x5d: {  	_ =	shalt  }
0x5e: {  	_ =	shalt  }
0x5f: {  	_ =	shalt  }
0x60: {  	_ =	shalt  }
0x61: {  	_ =	shalt  }
0x62: {  	_ =	shalt  }
0x63: {  	_ =	shalt  }
0x64: {  	_ =	shalt  }
0x65: {  	_ =	shalt  }
0x66: {  	_ =	shalt  }
0x67: {  	_ =	shalt  }
0x68: {  	_ =	shalt  }
0x69: {  	_ =	shalt  }
0x6a: {  	_ =	shalt  }
0x6b: {  	_ =	shalt  }
0x6c: {  	_ =	shalt  }
0x6d: {  	_ =	shalt  }
0x6e: {  	_ =	shalt  }
0x6f: {  	_ =	shalt  }
0x70: {  	_ =	shalt  }
0x71: {  	_ =	shalt  }
0x72: {  	_ =	shalt  }
0x73: {  	_ =	shalt  }
0x74: {  	_ =	shalt  }
0x75: {  	_ =	shalt  }
0x76: {  	_ =	shalt  }
0x77: {  	_ =	shalt  }
0x78: {  	_ =	shalt  }
0x79: {  	_ =	shalt  }
0x7a: {  	_ =	shalt  }
0x7b: {  	_ =	shalt  }
0x7c: {  	_ =	shalt  }
0x7d: {  	_ =	shalt  }
0x7e: {  	_ =	shalt  }
0x7f: {  	_ =	shalt  }
0x80: {  	_ =	shalt  }
0x81: {  	_ =	shalt  }
0x82: {  	_ =	shalt  }
0x83: {  	_ =	shalt  }
0x84: {  	_ =	shalt  }
0x85: {  	_ =	shalt  }
0x86: {  	_ =	shalt  }
0x87: {  	_ =	shalt  }
.Lfunc_end0:
.L_simem_size_0:
called_computation_lowered:
.L_overlay_start_0:
0x88: {  	s2 =	sld [smem:$0x3FD9]  }
0x89: {  	s3 =	sld [smem:$0x3FFE];
	_ =	sdelay $0x1  }
0x8a: {  	s1 =	srdreg.scid  }
0x8b: {  	s0 =	sand.u32 $0x1, s1  }
0x8c: {  	s17 =	sshll.u32 s0, $0xA;
	s2 =	sadd.s32 s3, s2  }
0x8d: {  	s2 =	sadd.s32 s2, s17  }
0x8e: {  	[smem:$0x3FBE] =	sst s2  }
0x8f: {  	_ = 	snop  }
0x90: {  	(tm) =	ssettm $0x1  }
0x91: {  	s18 =	sld [smem:$0x3FFB];
	_ =	sdelay $0x3  }
0x92: {  	_ =	strace s18  }
0x93: {  	s2 =	sld [smem:$0x3FFC];
	_ =	sdelay $0x3  }
0x94: {  	_ =	strace s2  }
0x95: {  	s2 =	sld [smem:$0x3FFD];
	_ =	sdelay $0x3  }
0x96: {  	_ =	strace s2  }
0x97: {  	_ =	strace $0x8FFFFFFF  }
0x98: {  	s19 =	sld [smem:$0x3FDB];
	_ =	sdelay $0x1  }
0x99: {  	s20 =	simm.s32 $_scs_section_size  }
0x9a: {  	s4 =	simm.s32 $_size__tile_overlayer_lowered;
	s5 =	simm.s32 $_tile_overlayer_lowered  }
0x9b: {  	s6 =	simm.s32 $0x1BFF;
	s21 =	sshll.u32 s5, $0x1;
	s3 =	sadd.s32 s20, s19  }
0x9c: {  	s22 =	simm.s32 $0x0;
	s4 =	sshll.u32 s4, $0x1;
	s5 =	sadd.s32 s21, s3  }
0x9d: {  	[timem:s22], [sflag:s6] =	dma.local [hbm:s5], s4  }
0x9e: {  	_ =	swait.ge [sflag:s6], s4  }
0x9f: {  	s4 =	ssub.s32 $0x0, s4;
	[sflag:s6] =	ssyncset.done $0x0  }
0xa0: {  	[sflag:s6] =	ssyncadd.s32 s4;
	_ =	sdelay $0x1  }
0xa1: {  	s23 =	simm.s32 $0x1B8B  }
0xa2: {  	_ =	swait.ge [sflag:s23], $0x1  }
0xa3: {  	[sflag:s23] =	ssyncset.done $0x0  }
0xa4: {  	[sflag:s23] =	ssyncadd.s32 $0xFFFFFFFF  }
0xa5: {  	s4 =	sld [smem:$0x0]  }
0xa6: {  	s5 =	sand.u32 $0xFFFFFFFE, s1  }
0xa7: {  	p0 =	sne.s32 s1, s5  }
0xa8: {  	s5 =	sshll.u32 @p0 s5, $0xE  }
0xa9: {  	s5 =	sadd.s32 @p0 $0x11B8D, s5;
	s6 =	sshll.u32 @p0 s4, $0x11  }
0xaa: {  	s5 =	sor.u32 @p0 s6, s5  }
0xab: {  	[sflag:s5] =	ssyncadd.remote.s32 @p0 $0x1;
	_ =	sdelay $0x1  }
0xac: {  	s5 =	simm.s32 @p0 $0x1B8D  }
0xad: {  	_ =	swait.eq @p0 [sflag:s5], $0x1  }
0xae: {  	[sflag:s5] =	ssyncadd.s32 @p0 $0xFFFFFFFF  }
0xaf: {  	s6 =	sshll.u32 @!p0 s1, $0xE  }
0xb0: {  	s6 =	sor.u32 @!p0 $0x4000, s6;
	s5 =	simm.s32 @!p0 $0x1B8D  }
0xb1: {  	s4 =	sshll.u32 @!p0 s4, $0x11;
	s6 =	sadd.s32 @!p0 $0x11B8D, s6;
	_ =	swait.eq @!p0 [sflag:s5], $0x1  }
0xb2: {  	s4 =	sor.u32 @!p0 s4, s6;
	[sflag:s5] =	ssyncadd.s32 @!p0 $0xFFFFFFFF  }
0xb3: {  	s25 =	simm.s32 $0x1B8E;
	s24 =	sld [smem:$0x3FFE];
	[sflag:s4] =	ssyncadd.remote.s32 @!p0 $0x1  }
0xb4: {  	s26 =	simm.s32 $execute0_lowered;
	[smem:$0x3FD2] =	sst s25  }
0xb5: {  	s5 =	sshll.u32 s26, $0x1;
	_ =	strace $0x80000049;
	[dreg:$0x1] =	wrdreg $0xFFFFFFFF  }
0xb6: {  	s28 =	simm.s32 $_size_execute0_lowered;
	s3 =	sadd.s32 s3, s5;
	[dreg:$0x0] =	wrdreg $0x0  }
0xb7: {  	s5 =	sshll.u32 s28, $0x1;
	[dreg:$0x2] =	wrdreg s3  }
0xb8: {  	[dreg:$0x3] =	wrdreg s5  }
0xb9: {  	[dreg:$0x4] =	wrdreg $0xC0  }
0xba: {  	_ =	task [dreg:s22], $0x5FFFF  }
0xbb: {  	[dreg:$0x1] =	wrdreg $0xFFFFFFFF  }
0xbc: {  	[dreg:$0x0] =	wrdreg $0x60  }
0xbd: {  	[dreg:$0x2] =	wrdreg s24  }
0xbe: {  	[dreg:$0x3] =	wrdreg $0x9  }
0xbf: {  	_ =	task.clear_ibuf [dreg:s22], $0x4FFFF;
	_ =	strace $0x90000049  }
0xc0: {  	s29 =	simm.s32 $0x9;
	_ =	strace $0x8000004B  }
0xc1: {  	_ =	swait.ge [sflag:s29], $0x1  }
0xc2: {  	[sflag:s29] =	ssyncadd.s32 $0xFFFFFFFF  }
0xc3: {  	_ =	strace $0x9000004B  }
0xc4: {  	_ =	sfence  }
0xc5: {  	s30 =	sld [smem:$0x0];
	_ =	sdelay $0x2  }
0xc6: {  	s31 =	sshll.u32 s1, $0xD;
	s1 =	sshrl.u32 s1, $0x2  }
0xc7: {  	s4 =	sand.u32 $0x4000, s31;
	s1 =	sadd.s32 s1, s30  }
0xc8: {  	s0 =	sor.u32 s4, s0;
	s1 =	sshll.u32 s1, $0x11  }
0xc9: {  	s0 =	sor.u32 s1, s0  }
0xca: {  	s0 =	sadd.s32 $0x8F2B, s0  }
0xcb: {  	[sflag:s0] =	ssyncadd.remote.s32 $0x1  }
0xcc: {  	_ =	sfence.sel $0xFFFF  }
0xcd: {  	[dreg:$0x0] =	wrdreg $0xFFFFFFFF;
	(pc) =	sbr.abs _section_cstart, $3  }
0xce: {  	[dreg:$0x1] =	wrdreg $0xFFFFFFFF  }
0xcf: {  	_ =	task.clear_ibuf [dreg:s22], $0x2FFFF;
	_ =	strace $0x9FFFFFFF  }
0xd0: {  	(tm) =	ssettm $0x7FFFFFFF  }
0xd1: {  	_ =	shalt  }
tec
execute0_lowered:
.L_overlay_start_1:
0x0: {  	(tag) =	ssettag $0x1  }
0x1: {  	s4 =	rddreg [dreg:$0x0]  }
0x2: {  	s0 =	rddreg [dreg:$0x1]  }
0x3: {  	s3 =	srdreg.scid;
	s1 =	stileid.u32;
	s2 =	simm.s32 $0x0  }
0x4: {  	s9 =	simm.s32 $0xD00;
	s10 =	simm.s32 $0x2700;
	s11 =	simm.s32 $0x1  }
0x5: {  	s12 =	simm.s32 $0x2;
	s13 =	simm.s32 $0x4100;
	s14 =	simm.s32 $0x0  }
0x6: {  	s5 =	sand.u32 $0x1, s3;
	s30 =	sshll.u32 s1, $0x1;
	[smem:$0x7FF] =	sst s2  }
0x7: {  	s3 =	sadd.s32 $0x18E200, s4;
	s6 =	sor.u32 s5, s30;
	s5 =	ssub.s32 $0x2, s5  }
0x8: {  	s7 =	smul.u32 $0x1A0, s6;
	s6 =	sshll.u32 s6, $0xB;
	s31 =	sshrl.u32 s5, $0x1  }
0x9: {  	_ =	strace $0x8000004A;
	s6 =	sadd.s32 s6, s4;
	s8 =	ssub.s32 s5, s31  }
0xa: {  	s7 =	sadd.s32 s7, s4;
	s5 =	sadd.s32 $0x7800, s6;
	s6 =	smax.u32 s8, $0x1  }
0xb: {  	vm0 =	vmmov $0x1;
	s8 =	simm.s32 $0x68;
	s4 =	sadd.s32 $0x1200, s7;
	s7 =	simm.s32 $0x3  }
.LBB2_1:
0xc: {  	[tilespmem:s2], [sflag:$0x3] =	stream.linear.gather [hbm4b:s4+s2], $0xD00, $0x38;
	[tilespmem:$0x8100] =	vst v63  }
0xd: {  	_ =	swait.ge [sflag:s7], $0xD00  }
0xe: {  	[sflag:s7] =	ssyncset.done $0x0  }
0xf: {  	s15 =	simm.s32 $0x0;
	[sflag:s7] =	ssyncadd.s32 $0xFFFFF300  }
0x10: {  	[tilespmem:s9], [sflag:$0x1] =	stream.indirect.gather [hbm4b:s3+s8], $0x40, s2, s8, $0xb8;
	[tilespmem:$0x8100] =	vst v63  }
.LBB2_2:
0x11: {  	s16 =	sshllo.u32 s15, $0x1  }
0x12: {  	s17 =	smul.u32 $0x1A0, s16;
	_ =	sdelay $0x1  }
0x13: {  	s17 =	sshra.s32 s17, $0x2  }
0x14: {  	[tilespmem:s10], [sflag:$0x2] =	stream.indirect.gather [hbm4b:s3+s8], $0x40, s17, s8, $0xb8;
	[tilespmem:$0x8100] =	vst v63  }
0x15: {  	_ =	swait.ge [sflag:s11], $0x1A00  }
0x16: {  	[sflag:s11] =	ssyncset.done $0x0  }
0x17: {  	s18 =	simm.s32 $0x0;
	[sflag:s11] =	ssyncadd.s32 $0xFFFFE600  }
0x18: {  	v1 =	vld [tilespmem:s18+$0xD30]  }
0x19: {  	v5 =	vld [tilespmem:s18+$0xD00]  }
0x1a: {  	v0 =	vimm.f32 $0.0e+00;
	v2 =	vimm.f32 $0.0e+00;
	v6 =	vld [tilespmem:s18+$0xD10]  }
0x1b: {  	v3 =	vimm.f32 $0.0e+00;
	v8 =	vimm.f32 $0.0e+00;
	v4 =	vimm.f32 $0.0e+00;
	v7 =	vld [tilespmem:s18+$0xD20]  }
0x1c: {  	v9 =	vimm.f32 $0.0e+00;
	v10 =	vimm.f32 $0.0e+00;
	v11 =	vimm.f32 $0.0e+00;
	s17 =	simm.s32 $0x100  }
.LBB2_3:
0x1d: {  	s18 =	sshra.s32 s17, $0x2;
	p0 =	sne.s32 s17, $0x1900;
	s17 =	sadd.s32 $0x100, s17;
	v0 =	vadd.f32 v1, v0;
	v12 =	vmul.f32 v1, v1  }
.Ltmp0:
0x1e: {  	v1 =	vld [tilespmem:s18+$0xD30];
	v2 =	vadd.f32 v5, v2;
	v13 =	vmul.f32 v5, v5;
	(pc) =	sbr.rel @p0 .LBB2_3-.Ltmp0, $4  }
0x1f: {  	v5 =	vld [tilespmem:s18+$0xD00];
	v3 =	vadd.f32 v6, v3;
	v14 =	vmul.f32 v6, v6;
	v8 =	vadd.f32 v12, v8  }
0x20: {  	v6 =	vld [tilespmem:s18+$0xD10];
	v4 =	vadd.f32 v7, v4;
	v9 =	vadd.f32 v13, v9;
	v12 =	vmul.f32 v7, v7  }
0x21: {  	v7 =	vld [tilespmem:s18+$0xD20];
	v10 =	vadd.f32 v14, v10  }
0x22: {  	v11 =	vadd.f32 v12, v11  }
0x23: {  	_ =	sdelay $0x1  }
0x24: {  	v12 =	vmul.f32 v1, v1;
	v13 =	vmul.f32 v5, v5  }
0x25: {  	v14 =	vmul.f32 v6, v6;
	v15 =	vmul.f32 v7, v7  }
0x26: {  	v8 =	vadd.f32 v12, v8;
	v9 =	vadd.f32 v13, v9  }
0x27: {  	v10 =	vadd.f32 v14, v10;
	v11 =	vadd.f32 v15, v11;
	_ =	sdelay $0x1  }
0x28: {  	v9 =	vadd.f32 v10, v9;
	v8 =	vadd.f32 v8, v11;
	_ =	sdelay $0x1  }
0x29: {  	v8 =	vadd.f32 v8, v9;
	_ =	sdelay $0x1  }
0x2a: {  	(xrf2) =	vadd.scan.msk.f32 $0xffff, v8;
	_ =	sdelay $0x5  }
0x2b: {  	v2 =	vadd.f32 v5, v2;
	_ =	sdelay $0x1  }
0x2c: {  	s17 =	sshll.u32 s15, $0xA  }
0x2d: {  	v0 =	vadd.f32 v1, v0;
	s17 =	sand.u32 $0x3FFFFC00, s17  }
0x2e: {  	v3 =	vadd.f32 v6, v3;
	[tilespmem:s17+$0x4100] =	vst v2;
	v2, _, _ =	vpop (xrf2)  }
0x2f: {  	[tilespmem:s17+$0x4130] =	vst v0;
	v4 =	vadd.f32 v7, v4;
	v1 =	vbroadcast v2, $0xF  }
0x30: {  	[tilespmem:s17+$0x4110] =	vst v3  }
0x31: {  	[tilespmem:s17+$0x4120] =	vst v4;
	v0 =	vnsel vm0, $0x0, v1  }
0x32: {  	s19 =	simm.s32 $0x0;
	[tilespmem:s17+$0x4140] =	vst v0  }
0x33: {  	v1 =	vld [tilespmem:s19+$0x13B0]  }
0x34: {  	v3 =	vld [tilespmem:s19+$0x1380]  }
0x35: {  	v5 =	vimm.f32 $0.0e+00;
	v4 =	vimm.f32 $0.0e+00;
	v6 =	vld [tilespmem:s19+$0x1390]  }
0x36: {  	v10 =	vimm.f32 $0.0e+00;
	v11 =	vimm.f32 $0.0e+00;
	v9 =	vimm.f32 $0.0e+00;
	v7 =	vld [tilespmem:s19+$0x13A0]  }
0x37: {  	s18 =	simm.s32 $0x100;
	v8 =	vimm.f32 $0.0e+00;
	v2 =	vimm.f32 $0.0e+00;
	v0 =	vimm.f32 $0.0e+00  }
.LBB2_5:
0x38: {  	s19 =	sshra.s32 s18, $0x2;
	p0 =	sne.s32 s18, $0x1900;
	s18 =	sadd.s32 $0x100, s18;
	v0 =	vadd.f32 v1, v0;
	v12 =	vmul.f32 v1, v1  }
.Ltmp1:
0x39: {  	v1 =	vld [tilespmem:s19+$0x13B0];
	v2 =	vadd.f32 v3, v2;
	v13 =	vmul.f32 v3, v3;
	(pc) =	sbr.rel @p0 .LBB2_5-.Ltmp1, $4  }
0x3a: {  	v3 =	vld [tilespmem:s19+$0x1380];
	v4 =	vadd.f32 v6, v4;
	v14 =	vmul.f32 v6, v6;
	v8 =	vadd.f32 v12, v8  }
0x3b: {  	v6 =	vld [tilespmem:s19+$0x1390];
	v5 =	vadd.f32 v7, v5;
	v9 =	vadd.f32 v13, v9;
	v12 =	vmul.f32 v7, v7  }
0x3c: {  	v7 =	vld [tilespmem:s19+$0x13A0];
	v10 =	vadd.f32 v14, v10  }
0x3d: {  	v11 =	vadd.f32 v12, v11  }
0x3e: {  	_ =	sdelay $0x1  }
0x3f: {  	v12 =	vmul.f32 v1, v1;
	v13 =	vmul.f32 v3, v3  }
0x40: {  	v14 =	vmul.f32 v6, v6;
	v15 =	vmul.f32 v7, v7  }
0x41: {  	v8 =	vadd.f32 v12, v8;
	v9 =	vadd.f32 v13, v9  }
0x42: {  	v10 =	vadd.f32 v14, v10;
	v11 =	vadd.f32 v15, v11;
	_ =	sdelay $0x1  }
0x43: {  	v9 =	vadd.f32 v10, v9;
	v8 =	vadd.f32 v8, v11;
	_ =	sdelay $0x1  }
0x44: {  	v8 =	vadd.f32 v8, v9;
	_ =	sdelay $0x1  }
0x45: {  	(xrf2) =	vadd.scan.msk.f32 $0xffff, v8;
	_ =	sdelay $0x5  }
0x46: {  	v2 =	vadd.f32 v3, v2;
	_ =	sdelay $0x2  }
0x47: {  	v0 =	vadd.f32 v1, v0  }
0x48: {  	v3 =	vadd.f32 v6, v4;
	[tilespmem:s17+$0x4180] =	vst v2;
	v2, _, _ =	vpop (xrf2)  }
0x49: {  	[tilespmem:s17+$0x41B0] =	vst v0;
	v4 =	vadd.f32 v7, v5;
	v1 =	vbroadcast v2, $0xF  }
0x4a: {  	[tilespmem:s17+$0x4190] =	vst v3  }
0x4b: {  	[tilespmem:s17+$0x41A0] =	vst v4;
	v0 =	vnsel vm0, $0x0, v1  }
0x4c: {  	s19 =	simm.s32 $0x0;
	[tilespmem:s17+$0x41C0] =	vst v0  }
0x4d: {  	v1 =	vld [tilespmem:s19+$0x1A30]  }
0x4e: {  	v3 =	vld [tilespmem:s19+$0x1A00]  }
0x4f: {  	v5 =	vimm.f32 $0.0e+00;
	v4 =	vimm.f32 $0.0e+00;
	v6 =	vld [tilespmem:s19+$0x1A10]  }
0x50: {  	v10 =	vimm.f32 $0.0e+00;
	v11 =	vimm.f32 $0.0e+00;
	v9 =	vimm.f32 $0.0e+00;
	v7 =	vld [tilespmem:s19+$0x1A20]  }
0x51: {  	s18 =	simm.s32 $0x100;
	v8 =	vimm.f32 $0.0e+00;
	v2 =	vimm.f32 $0.0e+00;
	v0 =	vimm.f32 $0.0e+00  }
.LBB2_7:
0x52: {  	s19 =	sshra.s32 s18, $0x2;
	p0 =	sne.s32 s18, $0x1900;
	s18 =	sadd.s32 $0x100, s18;
	v0 =	vadd.f32 v1, v0;
	v12 =	vmul.f32 v1, v1  }
.Ltmp2:
0x53: {  	v1 =	vld [tilespmem:s19+$0x1A30];
	v2 =	vadd.f32 v3, v2;
	v13 =	vmul.f32 v3, v3;
	(pc) =	sbr.rel @p0 .LBB2_7-.Ltmp2, $4  }
0x54: {  	v3 =	vld [tilespmem:s19+$0x1A00];
	v4 =	vadd.f32 v6, v4;
	v14 =	vmul.f32 v6, v6;
	v8 =	vadd.f32 v12, v8  }
0x55: {  	v6 =	vld [tilespmem:s19+$0x1A10];
	v5 =	vadd.f32 v7, v5;
	v9 =	vadd.f32 v13, v9;
	v12 =	vmul.f32 v7, v7  }
0x56: {  	v7 =	vld [tilespmem:s19+$0x1A20];
	v10 =	vadd.f32 v14, v10  }
0x57: {  	v11 =	vadd.f32 v12, v11  }
0x58: {  	_ =	sdelay $0x1  }
0x59: {  	v12 =	vmul.f32 v1, v1;
	v13 =	vmul.f32 v3, v3  }
0x5a: {  	v14 =	vmul.f32 v6, v6;
	v15 =	vmul.f32 v7, v7  }
0x5b: {  	v8 =	vadd.f32 v12, v8;
	v9 =	vadd.f32 v13, v9  }
0x5c: {  	v10 =	vadd.f32 v14, v10;
	v11 =	vadd.f32 v15, v11;
	_ =	sdelay $0x1  }
0x5d: {  	v9 =	vadd.f32 v10, v9;
	v8 =	vadd.f32 v8, v11;
	_ =	sdelay $0x1  }
0x5e: {  	v8 =	vadd.f32 v8, v9;
	_ =	sdelay $0x1  }
0x5f: {  	(xrf2) =	vadd.scan.msk.f32 $0xffff, v8;
	_ =	sdelay $0x5  }
0x60: {  	v2 =	vadd.f32 v3, v2;
	_ =	sdelay $0x2  }
0x61: {  	v0 =	vadd.f32 v1, v0  }
0x62: {  	v3 =	vadd.f32 v6, v4;
	[tilespmem:s17+$0x4200] =	vst v2;
	v2, _, _ =	vpop (xrf2)  }
0x63: {  	[tilespmem:s17+$0x4230] =	vst v0;
	v4 =	vadd.f32 v7, v5;
	v1 =	vbroadcast v2, $0xF  }
0x64: {  	[tilespmem:s17+$0x4210] =	vst v3  }
0x65: {  	[tilespmem:s17+$0x4220] =	vst v4;
	v0 =	vnsel vm0, $0x0, v1  }
0x66: {  	s19 =	simm.s32 $0x0;
	[tilespmem:s17+$0x4240] =	vst v0  }
0x67: {  	v1 =	vld [tilespmem:s19+$0x20B0]  }
0x68: {  	v3 =	vld [tilespmem:s19+$0x2080]  }
0x69: {  	v5 =	vimm.f32 $0.0e+00;
	v4 =	vimm.f32 $0.0e+00;
	v6 =	vld [tilespmem:s19+$0x2090]  }
0x6a: {  	v10 =	vimm.f32 $0.0e+00;
	v11 =	vimm.f32 $0.0e+00;
	v9 =	vimm.f32 $0.0e+00;
	v7 =	vld [tilespmem:s19+$0x20A0]  }
0x6b: {  	s18 =	simm.s32 $0x100;
	v8 =	vimm.f32 $0.0e+00;
	v2 =	vimm.f32 $0.0e+00;
	v0 =	vimm.f32 $0.0e+00  }
.LBB2_9:
0x6c: {  	s19 =	sshra.s32 s18, $0x2;
	p0 =	sne.s32 s18, $0x1900;
	s18 =	sadd.s32 $0x100, s18;
	v0 =	vadd.f32 v1, v0;
	v12 =	vmul.f32 v1, v1  }
.Ltmp3:
0x6d: {  	v1 =	vld [tilespmem:s19+$0x20B0];
	v2 =	vadd.f32 v3, v2;
	v13 =	vmul.f32 v3, v3;
	(pc) =	sbr.rel @p0 .LBB2_9-.Ltmp3, $4  }
0x6e: {  	v3 =	vld [tilespmem:s19+$0x2080];
	v4 =	vadd.f32 v6, v4;
	v14 =	vmul.f32 v6, v6;
	v8 =	vadd.f32 v12, v8  }
0x6f: {  	v6 =	vld [tilespmem:s19+$0x2090];
	v5 =	vadd.f32 v7, v5;
	v9 =	vadd.f32 v13, v9;
	v12 =	vmul.f32 v7, v7  }
0x70: {  	v7 =	vld [tilespmem:s19+$0x20A0];
	v10 =	vadd.f32 v14, v10  }
0x71: {  	v11 =	vadd.f32 v12, v11  }
0x72: {  	_ =	sdelay $0x1  }
0x73: {  	v12 =	vmul.f32 v1, v1;
	v13 =	vmul.f32 v3, v3  }
0x74: {  	v14 =	vmul.f32 v6, v6;
	v15 =	vmul.f32 v7, v7  }
0x75: {  	v8 =	vadd.f32 v12, v8;
	v9 =	vadd.f32 v13, v9  }
0x76: {  	v10 =	vadd.f32 v14, v10;
	v11 =	vadd.f32 v15, v11;
	_ =	sdelay $0x1  }
0x77: {  	v9 =	vadd.f32 v10, v9;
	v8 =	vadd.f32 v8, v11;
	_ =	sdelay $0x1  }
0x78: {  	v8 =	vadd.f32 v8, v9;
	_ =	sdelay $0x1  }
0x79: {  	(xrf2) =	vadd.scan.msk.f32 $0xffff, v8;
	_ =	sdelay $0x5  }
0x7a: {  	v2 =	vadd.f32 v3, v2;
	_ =	sdelay $0x2  }
0x7b: {  	v0 =	vadd.f32 v1, v0  }
0x7c: {  	p0 =	seq.s32 s15, $0xF;
	v3 =	vadd.f32 v6, v4;
	[tilespmem:s17+$0x4280] =	vst v2;
	v2, _, _ =	vpop (xrf2)  }
0x7d: {  	s18 =	smul.u32 @!p0 $0x340, s15;
	[tilespmem:s17+$0x42B0] =	vst v0;
	v4 =	vadd.f32 v7, v5;
	v1 =	vbroadcast v2, $0xF  }
0x7e: {  	[tilespmem:s17+$0x4290] =	vst v3  }
0x7f: {  	s18 =	sshra.s32 @!p0 s18, $0x2;
	[tilespmem:s17+$0x42A0] =	vst v4;
	v0 =	vnsel vm0, $0x0, v1  }
0x80: {  	s19 =	simm.s32 @!p0 $0xD00;
	[tilespmem:s17+$0x42C0] =	vst v0;
	s17 =	sadd.s32 @!p0 $0xD0, s18;
	s18 =	simm.s32 @!p0 $0x68  }
0x81: {  	[tilespmem:s19], [sflag:$0x1] =	stream.indirect.gather @!p0 [hbm4b:s3+s18], $0x40, s17, s18, $0xb8;
	[tilespmem:$0x8100] =	vst v63  }
0x82: {  	_ =	swait.ge [sflag:s12], $0x1A00  }
0x83: {  	[sflag:s12] =	ssyncset.done $0x0  }
0x84: {  	s31 =	simm.s32 $0x0;
	[sflag:s12] =	ssyncadd.s32 $0xFFFFE600  }
0x85: {  	v1 =	vld [tilespmem:s31+$0x2730]  }
0x86: {  	v5 =	vld [tilespmem:s31+$0x2700]  }
0x87: {  	v3 =	vimm.f32 $0.0e+00;
	v4 =	vimm.f32 $0.0e+00;
	v6 =	vld [tilespmem:s31+$0x2710]  }
0x88: {  	v10 =	vimm.f32 $0.0e+00;
	v11 =	vimm.f32 $0.0e+00;
	v9 =	vimm.f32 $0.0e+00;
	v7 =	vld [tilespmem:s31+$0x2720]  }
0x89: {  	v8 =	vimm.f32 $0.0e+00;
	v2 =	vimm.f32 $0.0e+00;
	v0 =	vimm.f32 $0.0e+00;
	s17 =	simm.s32 $0x100  }
.LBB2_11:
0x8a: {  	s18 =	sshra.s32 s17, $0x2;
	p0 =	sne.s32 s17, $0x1900;
	s17 =	sadd.s32 $0x100, s17;
	v0 =	vadd.f32 v1, v0;
	v12 =	vmul.f32 v1, v1  }
.Ltmp4:
0x8b: {  	v1 =	vld [tilespmem:s18+$0x2730];
	v2 =	vadd.f32 v5, v2;
	v13 =	vmul.f32 v5, v5;
	(pc) =	sbr.rel @p0 .LBB2_11-.Ltmp4, $4  }
0x8c: {  	v5 =	vld [tilespmem:s18+$0x2700];
	v3 =	vadd.f32 v6, v3;
	v14 =	vmul.f32 v6, v6;
	v8 =	vadd.f32 v12, v8  }
0x8d: {  	v6 =	vld [tilespmem:s18+$0x2710];
	v4 =	vadd.f32 v7, v4;
	v9 =	vadd.f32 v13, v9;
	v12 =	vmul.f32 v7, v7  }
0x8e: {  	v7 =	vld [tilespmem:s18+$0x2720];
	v10 =	vadd.f32 v14, v10  }
0x8f: {  	v11 =	vadd.f32 v12, v11  }
0x90: {  	_ =	sdelay $0x1  }
0x91: {  	v12 =	vmul.f32 v1, v1;
	v13 =	vmul.f32 v5, v5  }
0x92: {  	v14 =	vmul.f32 v6, v6;
	v15 =	vmul.f32 v7, v7  }
0x93: {  	v8 =	vadd.f32 v12, v8;
	v9 =	vadd.f32 v13, v9  }
0x94: {  	v10 =	vadd.f32 v14, v10;
	v11 =	vadd.f32 v15, v11;
	_ =	sdelay $0x1  }
0x95: {  	v9 =	vadd.f32 v10, v9;
	v8 =	vadd.f32 v8, v11;
	_ =	sdelay $0x1  }
0x96: {  	v8 =	vadd.f32 v8, v9;
	_ =	sdelay $0x1  }
0x97: {  	(xrf2) =	vadd.scan.msk.f32 $0xffff, v8;
	_ =	sdelay $0x5  }
0x98: {  	v2 =	vadd.f32 v5, v2;
	_ =	sdelay $0x1  }
0x99: {  	s16 =	sshll.u32 s16, $0x9  }
0x9a: {  	v0 =	vadd.f32 v1, v0;
	s16 =	sand.u32 $0x3FFFFE00, s16  }
0x9b: {  	v3 =	vadd.f32 v6, v3;
	[tilespmem:s16+$0x4100] =	vst v2;
	v2, _, _ =	vpop (xrf2)  }
0x9c: {  	[tilespmem:s16+$0x4130] =	vst v0;
	v4 =	vadd.f32 v7, v4;
	v1 =	vbroadcast v2, $0xF  }
0x9d: {  	[tilespmem:s16+$0x4110] =	vst v3  }
0x9e: {  	[tilespmem:s16+$0x4120] =	vst v4;
	v0 =	vnsel vm0, $0x0, v1  }
0x9f: {  	s18 =	simm.s32 $0x0;
	[tilespmem:s16+$0x4140] =	vst v0  }
0xa0: {  	v1 =	vld [tilespmem:s18+$0x2DB0]  }
0xa1: {  	v3 =	vld [tilespmem:s18+$0x2D80]  }
0xa2: {  	v5 =	vimm.f32 $0.0e+00;
	v4 =	vimm.f32 $0.0e+00;
	v6 =	vld [tilespmem:s18+$0x2D90]  }
0xa3: {  	v10 =	vimm.f32 $0.0e+00;
	v11 =	vimm.f32 $0.0e+00;
	v9 =	vimm.f32 $0.0e+00;
	v7 =	vld [tilespmem:s18+$0x2DA0]  }
0xa4: {  	s17 =	simm.s32 $0x100;
	v8 =	vimm.f32 $0.0e+00;
	v2 =	vimm.f32 $0.0e+00;
	v0 =	vimm.f32 $0.0e+00  }
.LBB2_13:
0xa5: {  	s18 =	sshra.s32 s17, $0x2;
	p0 =	sne.s32 s17, $0x1900;
	s17 =	sadd.s32 $0x100, s17;
	v0 =	vadd.f32 v1, v0;
	v12 =	vmul.f32 v1, v1  }
.Ltmp5:
0xa6: {  	v1 =	vld [tilespmem:s18+$0x2DB0];
	v2 =	vadd.f32 v3, v2;
	v13 =	vmul.f32 v3, v3;
	(pc) =	sbr.rel @p0 .LBB2_13-.Ltmp5, $4  }
0xa7: {  	v3 =	vld [tilespmem:s18+$0x2D80];
	v4 =	vadd.f32 v6, v4;
	v14 =	vmul.f32 v6, v6;
	v8 =	vadd.f32 v12, v8  }
0xa8: {  	v6 =	vld [tilespmem:s18+$0x2D90];
	v5 =	vadd.f32 v7, v5;
	v9 =	vadd.f32 v13, v9;
	v12 =	vmul.f32 v7, v7  }
0xa9: {  	v7 =	vld [tilespmem:s18+$0x2DA0];
	v10 =	vadd.f32 v14, v10  }
0xaa: {  	v11 =	vadd.f32 v12, v11  }
0xab: {  	_ =	sdelay $0x1  }
0xac: {  	v12 =	vmul.f32 v1, v1;
	v13 =	vmul.f32 v3, v3  }
0xad: {  	v14 =	vmul.f32 v6, v6;
	v15 =	vmul.f32 v7, v7  }
0xae: {  	v8 =	vadd.f32 v12, v8;
	v9 =	vadd.f32 v13, v9  }
0xaf: {  	v10 =	vadd.f32 v14, v10;
	v11 =	vadd.f32 v15, v11;
	_ =	sdelay $0x1  }
0xb0: {  	v9 =	vadd.f32 v10, v9;
	v8 =	vadd.f32 v8, v11;
	_ =	sdelay $0x1  }
0xb1: {  	v8 =	vadd.f32 v8, v9;
	_ =	sdelay $0x1  }
0xb2: {  	(xrf2) =	vadd.scan.msk.f32 $0xffff, v8;
	_ =	sdelay $0x5  }
0xb3: {  	v2 =	vadd.f32 v3, v2;
	_ =	sdelay $0x2  }
0xb4: {  	v0 =	vadd.f32 v1, v0  }
0xb5: {  	v3 =	vadd.f32 v6, v4;
	[tilespmem:s16+$0x4180] =	vst v2;
	v2, _, _ =	vpop (xrf2)  }
0xb6: {  	[tilespmem:s16+$0x41B0] =	vst v0;
	v4 =	vadd.f32 v7, v5;
	v1 =	vbroadcast v2, $0xF  }
0xb7: {  	[tilespmem:s16+$0x4190] =	vst v3  }
0xb8: {  	[tilespmem:s16+$0x41A0] =	vst v4;
	v0 =	vnsel vm0, $0x0, v1  }
0xb9: {  	s18 =	simm.s32 $0x0;
	[tilespmem:s16+$0x41C0] =	vst v0  }
0xba: {  	v1 =	vld [tilespmem:s18+$0x3430]  }
0xbb: {  	v3 =	vld [tilespmem:s18+$0x3400]  }
0xbc: {  	v5 =	vimm.f32 $0.0e+00;
	v4 =	vimm.f32 $0.0e+00;
	v6 =	vld [tilespmem:s18+$0x3410]  }
0xbd: {  	v10 =	vimm.f32 $0.0e+00;
	v11 =	vimm.f32 $0.0e+00;
	v9 =	vimm.f32 $0.0e+00;
	v7 =	vld [tilespmem:s18+$0x3420]  }
0xbe: {  	s17 =	simm.s32 $0x100;
	v8 =	vimm.f32 $0.0e+00;
	v2 =	vimm.f32 $0.0e+00;
	v0 =	vimm.f32 $0.0e+00  }
.LBB2_15:
0xbf: {  	s18 =	sshra.s32 s17, $0x2;
	p0 =	sne.s32 s17, $0x1900;
	s17 =	sadd.s32 $0x100, s17;
	v0 =	vadd.f32 v1, v0;
	v12 =	vmul.f32 v1, v1  }
.Ltmp6:
0xc0: {  	v1 =	vld [tilespmem:s18+$0x3430];
	v2 =	vadd.f32 v3, v2;
	v13 =	vmul.f32 v3, v3;
	(pc) =	sbr.rel @p0 .LBB2_15-.Ltmp6, $4  }
0xc1: {  	v3 =	vld [tilespmem:s18+$0x3400];
	v4 =	vadd.f32 v6, v4;
	v14 =	vmul.f32 v6, v6;
	v8 =	vadd.f32 v12, v8  }
0xc2: {  	v6 =	vld [tilespmem:s18+$0x3410];
	v5 =	vadd.f32 v7, v5;
	v9 =	vadd.f32 v13, v9;
	v12 =	vmul.f32 v7, v7  }
0xc3: {  	v7 =	vld [tilespmem:s18+$0x3420];
	v10 =	vadd.f32 v14, v10  }
0xc4: {  	v11 =	vadd.f32 v12, v11  }
0xc5: {  	_ =	sdelay $0x1  }
0xc6: {  	v12 =	vmul.f32 v1, v1;
	v13 =	vmul.f32 v3, v3  }
0xc7: {  	v14 =	vmul.f32 v6, v6;
	v15 =	vmul.f32 v7, v7  }
0xc8: {  	v8 =	vadd.f32 v12, v8;
	v9 =	vadd.f32 v13, v9  }
0xc9: {  	v10 =	vadd.f32 v14, v10;
	v11 =	vadd.f32 v15, v11;
	_ =	sdelay $0x1  }
0xca: {  	v9 =	vadd.f32 v10, v9;
	v8 =	vadd.f32 v8, v11;
	_ =	sdelay $0x1  }
0xcb: {  	v8 =	vadd.f32 v8, v9;
	_ =	sdelay $0x1  }
0xcc: {  	(xrf2) =	vadd.scan.msk.f32 $0xffff, v8;
	_ =	sdelay $0x5  }
0xcd: {  	v2 =	vadd.f32 v3, v2;
	_ =	sdelay $0x2  }
0xce: {  	v0 =	vadd.f32 v1, v0  }
0xcf: {  	v3 =	vadd.f32 v6, v4;
	[tilespmem:s16+$0x4200] =	vst v2;
	v2, _, _ =	vpop (xrf2)  }
0xd0: {  	[tilespmem:s16+$0x4230] =	vst v0;
	v4 =	vadd.f32 v7, v5;
	v1 =	vbroadcast v2, $0xF  }
0xd1: {  	[tilespmem:s16+$0x4210] =	vst v3  }
0xd2: {  	[tilespmem:s16+$0x4220] =	vst v4;
	v0 =	vnsel vm0, $0x0, v1  }
0xd3: {  	s18 =	simm.s32 $0x0;
	[tilespmem:s16+$0x4240] =	vst v0  }
0xd4: {  	v1 =	vld [tilespmem:s18+$0x3AB0]  }
0xd5: {  	v3 =	vld [tilespmem:s18+$0x3A80]  }
0xd6: {  	v5 =	vimm.f32 $0.0e+00;
	v4 =	vimm.f32 $0.0e+00;
	v6 =	vld [tilespmem:s18+$0x3A90]  }
0xd7: {  	v10 =	vimm.f32 $0.0e+00;
	v11 =	vimm.f32 $0.0e+00;
	v9 =	vimm.f32 $0.0e+00;
	v7 =	vld [tilespmem:s18+$0x3AA0]  }
0xd8: {  	s17 =	simm.s32 $0x100;
	v8 =	vimm.f32 $0.0e+00;
	v2 =	vimm.f32 $0.0e+00;
	v0 =	vimm.f32 $0.0e+00  }
.LBB2_17:
0xd9: {  	s18 =	sshra.s32 s17, $0x2;
	p0 =	sne.s32 s17, $0x1900;
	s17 =	sadd.s32 $0x100, s17;
	v0 =	vadd.f32 v1, v0;
	v12 =	vmul.f32 v1, v1  }
.Ltmp7:
0xda: {  	v1 =	vld [tilespmem:s18+$0x3AB0];
	v2 =	vadd.f32 v3, v2;
	v13 =	vmul.f32 v3, v3;
	(pc) =	sbr.rel @p0 .LBB2_17-.Ltmp7, $4  }
0xdb: {  	v3 =	vld [tilespmem:s18+$0x3A80];
	v4 =	vadd.f32 v6, v4;
	v14 =	vmul.f32 v6, v6;
	v8 =	vadd.f32 v12, v8  }
0xdc: {  	v6 =	vld [tilespmem:s18+$0x3A90];
	v5 =	vadd.f32 v7, v5;
	v9 =	vadd.f32 v13, v9;
	v12 =	vmul.f32 v7, v7  }
0xdd: {  	v7 =	vld [tilespmem:s18+$0x3AA0];
	v10 =	vadd.f32 v14, v10  }
0xde: {  	v11 =	vadd.f32 v12, v11  }
0xdf: {  	_ =	sdelay $0x1  }
0xe0: {  	v12 =	vmul.f32 v1, v1;
	v13 =	vmul.f32 v3, v3  }
0xe1: {  	v14 =	vmul.f32 v6, v6;
	v15 =	vmul.f32 v7, v7  }
0xe2: {  	v8 =	vadd.f32 v12, v8;
	v9 =	vadd.f32 v13, v9  }
0xe3: {  	v10 =	vadd.f32 v14, v10;
	v11 =	vadd.f32 v15, v11;
	_ =	sdelay $0x1  }
0xe4: {  	v9 =	vadd.f32 v10, v9;
	v8 =	vadd.f32 v8, v11;
	_ =	sdelay $0x1  }
0xe5: {  	v8 =	vadd.f32 v8, v9;
	_ =	sdelay $0x1  }
0xe6: {  	(xrf2) =	vadd.scan.msk.f32 $0xffff, v8;
	_ =	sdelay $0x7  }
0xe7: {  	v0 =	vadd.f32 v1, v0;
	s15 =	sadd.s32 $0x1, s15  }
0xe8: {  	v2 =	vadd.f32 v3, v2;
	p0 =	sne.s32 s15, $0x10  }
.Ltmp8:
0xe9: {  	v59 =	vadd.f32 v6, v4;
	[tilespmem:s16+$0x42B0] =	vst v0;
	v61, _, _ =	vpop (xrf2);
	(pc) =	sbr.rel @p0 .LBB2_2-.Ltmp8, $4  }
0xea: {  	v60 =	vadd.f32 v7, v5;
	[tilespmem:s16+$0x4280] =	vst v2;
	v62 =	vbroadcast v61, $0xF  }
0xeb: {  	[tilespmem:s16+$0x4290] =	vst v59  }
0xec: {  	[tilespmem:s16+$0x42A0] =	vst v60;
	v63 =	vnsel vm0, $0x0, v62  }
0xed: {  	[tilespmem:s16+$0x42C0] =	vst v63  }
0xee: {  	s14 =	sadd.s32 $0x1, s14  }
0xef: {  	p0 =	sne.s32 s14, s6  }
.Ltmp9:
0xf0: {  	_ = 	snop;
	(pc) =	sbr.rel @p0 .LBB2_1-.Ltmp9, $4  }
0xf1: {  	[hbm4b:s5+s2] =	stream.linear.scatter [tilespmem:s13], [sflag:$0x3], $0x4000, $0x38;
	[tilespmem:$0x8100] =	vst v63  }
0xf2: {  	_ =	swait.ge [sflag:s7], $0x4000  }
0xf3: {  	[sflag:s7] =	ssyncset.done $0x0  }
0xf4: {  	[sflag:s7] =	ssyncadd.s32 $0xFFFFC000  }
0xf5: {  	_ =	sfence.sel $0x180000  }
0xf6: {  	[bflag:$0x0] =	sbarrier.arrive $0xFFFF  }
0xf7: {  	p0 =	sne.s32 s1, $0x0;
	_ =	strace $0x9000004A  }
0xf8: {  	s0 =	sadd.s32 @!p0 $0x100000, s0;
	[bflag:$0x2] =	sbarrier.arrive $0xFFFF  }
0xf9: {  	[sflag:s0] =	ssyncadd.tile.s32 @!p0 $0x1;
	_ =	shalt  }
.Lfunc_end2:
_tile_overlayer_lowered:
.L_overlay_start_2:
0xfa: {  	(tag) =	ssettag $0x2  }
0xfb: {  	s0 =	rddreg [dreg:$0x0];
	s2 =	stileid.u32  }
0xfc: {  	s1 =	rddreg [dreg:$0x1];
	p0 =	sne.s32 s2, $0x0  }
0xfd: {  	s3 =	rddreg [dreg:$0x2];
	[bflag:$0x3] =	sbarrier.arrive $0xFFFF;
	s2 =	simm.s32 @!p0 $0x1C03  }
0xfe: {  	[timem:s3], [sflag:s2] =	dma.local @!p0 [hbm:s0], s1  }
0xff: {  	s0 =	simm.s32 @!p0 $0x3  }
0x100: {  	_ =	swait.ge @!p0 [sflag:s0], s1  }
0x101: {  	s1 =	ssub.s32 @!p0 $0x0, s1;
	[sflag:s0] =	ssyncset.done @!p0 $0x0  }
0x102: {  	[sflag:s0] =	ssyncadd.s32 @!p0 s1  }
0x103: {  	[bflag:$0x3] =	sbarrier.arrive $0xFFFF  }
0x104: {  	_ =	shalt  }

// kernel: kernel.8.cloned.1.call-start
scs
__scs_entry_jumppad:
0x0: {  	(pc) =	sbr.rel $0x88, $3  }
0x1: {  	(tag) =	ssettag $0x0;
	lr =	simm.s32 $0x1  }
0x2: {  	[smem:$0x3F97] =	sst lr;
	_ =	strace $0xD0000000  }
0x3: {  	_ = 	snop  }
0x4: {  	_ = 	snop  }
0x5: {  	_ = 	snop  }
0x6: {  	_ = 	snop  }
0x7: {  	_ = 	snop  }
__scs_overlays_trampoline_lowered:
0x8: {  	[smem:$0x3FA6] =	sst s0  }
0x9: {  	[smem:$0x3FA7] =	sst s1  }
0xa: {  	[smem:$0x3FA8] =	sst s2  }
0xb: {  	[smem:$0x3FA9] =	sst s3  }
0xc: {  	[smem:$0x3FAA] =	sst s4  }
0xd: {  	[smem:$0x3FAB] =	sst s5  }
0xe: {  	[smem:$0x3FAC] =	sst s6  }
0xf: {  	[smem:$0x3FAD] =	sst s7  }
0x10: {  	[smem:$0x3FAE] =	sst s8  }
0x11: {  	[smem:$0x3FAF] =	sst s9;
	s0 =	simm.s32 @!p0 $0x0  }
0x12: {  	s1 =	sld [smem:$0x3F95];
	s0 =	simm.s32 @p0 $0x1  }
0x13: {  	[smem:$0x3FB0] =	sst s0;
	s0 =	simm.s32 @!p1 $0x0  }
0x14: {  	s2 =	sld [smem:$0x3F94];
	s0 =	simm.s32 @p1 $0x1  }
0x15: {  	[smem:$0x3FB1] =	sst s0;
	s0 =	simm.s32 @!p2 $0x0  }
0x16: {  	s3 =	sld [smem:$0x3FDB];
	s0 =	simm.s32 @p2 $0x1  }
0x17: {  	s4 =	simm.s32 $0x1BF5;
	[smem:$0x3FB3] =	sst s0  }
0x18: {  	s0 =	sld [smem:$0x3F96];
	_ =	swait.ge [sflag:s4], $0x0  }
0x19: {  	s7 =	sld [smem:$0x3F97]  }
0x1a: {  	s8 =	sadd.s32 $0xFFFFE003, lr  }
0x1b: {  	s9 =	sadd.s32 $0xFFFFFEF7, lr;
	s5 =	simm.s32 $0xFFFFFFFF;
	p2 =	slt.u32 s8, $0xFFFFF086  }
0x1c: {  	p1 =	slt.u32 s9, $0xF7A;
	s5 =	simm.s32 @!p2 $0x0  }
0x1d: {  	s5 =	simm.s32 @p1 $0x1;
	p0 =	seq.s32 s7, s2  }
0x1e: {  	s7 =	smul.u32 @!p0 $0xF7A, s2;
	p2 =	seq.s32 @!p0 s5, $0x0  }
0x1f: {  	s9 =	smul.u32 $0xF7A, s1;
	s8 =	simm.s32 @!p0 $0x1BF5;
	p2 =	por !p2, p0  }
0x20: {  	[sflag:s8] =	ssyncset.s32 @!p0 $0xFFFFF086;
	s6 =	sadd.s32 @!p0 s3, s7;
	s7 =	simm.s32 @!p0 $0x108  }
0x21: {  	s3 =	sadd.s32 s3, s9;
	s6 =	sadd.s32 @!p0 $0x88, s6;
	s7 =	simm.s32 @p2 $0x1082  }
0x22: {  	[simem:s7], [sflag:s8] =	dma.local @!p0 [hbm:s6], $0xF7A  }
0x23: {  	s9 =	sor.u32 $0xD0000000, s2;
	s6 =	simm.s32 $0x108;
	_ =	swait.ge @!p0 [sflag:s8], $0x0  }
0x24: {  	s3 =	sadd.s32 $0x88, s3;
	s6 =	simm.s32 @!p1 $0x1082;
	[sflag:s4] =	ssyncset.s32 $0xFFFFF086  }
0x25: {  	[simem:s6], [sflag:s4] =	dma.local [hbm:s3], $0xF7A  }
0x26: {  	[smem:$0x3F97] =	sst s1;
	(tag) =	ssettag s2;
	_ =	strace s9  }
0x27: {  	s1 =	sld [smem:$0x3FA7]  }
0x28: {  	s2 =	sld [smem:$0x3FA8]  }
0x29: {  	s4 =	sld [smem:$0x3FAA]  }
0x2a: {  	p0 =	seq.s32 s5, $0x0;
	s5 =	sld [smem:$0x3FAB]  }
0x2b: {  	s6 =	sld [smem:$0x3FAC]  }
0x2c: {  	s7 =	sld [smem:$0x3FAD]  }
0x2d: {  	s3 =	simm.s32 $0x108;
	s8 =	sld [smem:$0x3FAE]  }
0x2e: {  	s3 =	simm.s32 @!p0 $0x1082;
	s9 =	sld [smem:$0x3FAF]  }
0x2f: {  	lr =	sadd.s32 s0, s3;
	s0 =	sld [smem:$0x3FA6]  }
0x30: {  	s3 =	sld [smem:$0x3FA9]  }
0x31: {  	[smem:$0x3FB2] =	sst s10  }
0x32: {  	s10 =	sld [smem:$0x3FB0];
	_ =	sdelay $0x3  }
0x33: {  	p0 =	seq.s32 s10, $0x1;
	s10 =	sld [smem:$0x3FB2];
	_ =	sdelay $0x3  }
0x34: {  	[smem:$0x3FB2] =	sst s10  }
0x35: {  	s10 =	sld [smem:$0x3FB1];
	_ =	sdelay $0x3  }
0x36: {  	p1 =	seq.s32 s10, $0x1;
	s10 =	sld [smem:$0x3FB2];
	_ =	sdelay $0x3  }
0x37: {  	[smem:$0x3FB2] =	sst s10  }
0x38: {  	s10 =	sld [smem:$0x3FB3]  }
0x39: {  	_ = 	snop;
	(pc) =	sbr.ind lr, $3  }
0x3a: {  	_ = 	snop  }
0x3b: {  	_ = 	snop  }
0x3c: {  	p2 =	seq.s32 s10, $0x1;
	s10 =	sld [smem:$0x3FB2]  }
0x3d: {  	_ =	shalt  }
0x3e: {  	_ =	shalt  }
0x3f: {  	_ =	shalt  }
0x40: {  	_ =	shalt  }
0x41: {  	_ =	shalt  }
0x42: {  	_ =	shalt  }
0x43: {  	_ =	shalt  }
0x44: {  	_ =	shalt  }
0x45: {  	_ =	shalt  }
0x46: {  	_ =	shalt  }
0x47: {  	_ =	shalt  }
0x48: {  	_ =	shalt  }
0x49: {  	_ =	shalt  }
0x4a: {  	_ =	shalt  }
0x4b: {  	_ =	shalt  }
0x4c: {  	_ =	shalt  }
0x4d: {  	_ =	shalt  }
0x4e: {  	_ =	shalt  }
0x4f: {  	_ =	shalt  }
0x50: {  	_ =	shalt  }
0x51: {  	_ =	shalt  }
0x52: {  	_ =	shalt  }
0x53: {  	_ =	shalt  }
0x54: {  	_ =	shalt  }
0x55: {  	_ =	shalt  }
0x56: {  	_ =	shalt  }
0x57: {  	_ =	shalt  }
0x58: {  	_ =	shalt  }
0x59: {  	_ =	shalt  }
0x5a: {  	_ =	shalt  }
0x5b: {  	_ =	shalt  }
0x5c: {  	_ =	shalt  }
0x5d: {  	_ =	shalt  }
0x5e: {  	_ =	shalt  }
0x5f: {  	_ =	shalt  }
0x60: {  	_ =	shalt  }
0x61: {  	_ =	shalt  }
0x62: {  	_ =	shalt  }
0x63: {  	_ =	shalt  }
0x64: {  	_ =	shalt  }
0x65: {  	_ =	shalt  }
0x66: {  	_ =	shalt  }
0x67: {  	_ =	shalt  }
0x68: {  	_ =	shalt  }
0x69: {  	_ =	shalt  }
0x6a: {  	_ =	shalt  }
0x6b: {  	_ =	shalt  }
0x6c: {  	_ =	shalt  }
0x6d: {  	_ =	shalt  }
0x6e: {  	_ =	shalt  }
0x6f: {  	_ =	shalt  }
0x70: {  	_ =	shalt  }
0x71: {  	_ =	shalt  }
0x72: {  	_ =	shalt  }
0x73: {  	_ =	shalt  }
0x74: {  	_ =	shalt  }
0x75: {  	_ =	shalt  }
0x76: {  	_ =	shalt  }
0x77: {  	_ =	shalt  }
0x78: {  	_ =	shalt  }
0x79: {  	_ =	shalt  }
0x7a: {  	_ =	shalt  }
0x7b: {  	_ =	shalt  }
0x7c: {  	_ =	shalt  }
0x7d: {  	_ =	shalt  }
0x7e: {  	_ =	shalt  }
0x7f: {  	_ =	shalt  }
0x80: {  	_ =	shalt  }
0x81: {  	_ =	shalt  }
0x82: {  	_ =	shalt  }
0x83: {  	_ =	shalt  }
0x84: {  	_ =	shalt  }
0x85: {  	_ =	shalt  }
0x86: {  	_ =	shalt  }
0x87: {  	_ =	shalt  }
.Lfunc_end0:
.L_simem_size_0:
called_computation.1_lowered:
.L_overlay_start_0:
0x88: {  	s2 =	sld [smem:$0x3FD9]  }
0x89: {  	s3 =	sld [smem:$0x3FFE];
	_ =	sdelay $0x1  }
0x8a: {  	s1 =	srdreg.scid  }
0x8b: {  	s0 =	sand.u32 $0x1, s1  }
0x8c: {  	s17 =	sshll.u32 s0, $0xA;
	s2 =	sadd.s32 s3, s2  }
0x8d: {  	s2 =	sadd.s32 s2, s17  }
0x8e: {  	[smem:$0x3FBE] =	sst s2  }
0x8f: {  	_ = 	snop  }
0x90: {  	s2 =	sld [smem:$0x3FD0];
	(tm) =	ssettm $0x1  }
0x91: {  	s18 =	sld [smem:$0x3FFB];
	_ =	sdelay $0x3  }
0x92: {  	_ =	strace s18  }
0x93: {  	s3 =	sld [smem:$0x3FFC];
	_ =	sdelay $0x3  }
0x94: {  	_ =	strace s3  }
0x95: {  	s3 =	sld [smem:$0x3FFD];
	_ =	sdelay $0x3  }
0x96: {  	_ =	strace s3  }
0x97: {  	_ =	strace $0x8FFFFFFF  }
0x98: {  	s19 =	sld [smem:$0x3FDB];
	_ =	sdelay $0x1  }
0x99: {  	s4 =	simm.s32 $_scs_section_size  }
0x9a: {  	s5 =	simm.s32 $_size__tile_overlayer_lowered;
	s6 =	simm.s32 $_tile_overlayer_lowered  }
0x9b: {  	s22 =	simm.s32 $0x1BFF;
	s21 =	sshll.u32 s6, $0x1;
	s3 =	sadd.s32 s4, s19  }
0x9c: {  	s7 =	simm.s32 $0x0;
	s20 =	sshll.u32 s5, $0x1;
	s5 =	sadd.s32 s21, s3  }
0x9d: {  	[timem:s7], [sflag:s22] =	dma.local [hbm:s5], s20  }
0x9e: {  	_ =	swait.ge [sflag:s22], s20  }
0x9f: {  	s4 =	ssub.s32 $0x0, s20;
	[sflag:s22] =	ssyncset.done $0x0  }
0xa0: {  	[sflag:s22] =	ssyncadd.s32 s4;
	_ =	sdelay $0x1  }
0xa1: {  	s23 =	simm.s32 $0x1B8B  }
0xa2: {  	_ =	swait.ge [sflag:s23], $0x1  }
0xa3: {  	[sflag:s23] =	ssyncset.done $0x0  }
0xa4: {  	s25 =	simm.s32 $0x1B8E;
	s24 =	sld [smem:$0x3FFE];
	[sflag:s23] =	ssyncadd.s32 $0xFFFFFFFF  }
0xa5: {  	s26 =	simm.s32 $execute0_lowered;
	[smem:$0x3FD2] =	sst s25  }
0xa6: {  	s5 =	sshll.u32 s26, $0x1;
	_ =	strace $0x80000046;
	[dreg:$0x1] =	wrdreg $0xFFFFFFFF  }
0xa7: {  	s28 =	simm.s32 $_size_execute0_lowered;
	s3 =	sadd.s32 s3, s5;
	[dreg:$0x0] =	wrdreg $0x0  }
0xa8: {  	s5 =	sshll.u32 s28, $0x1;
	[dreg:$0x2] =	wrdreg s3  }
0xa9: {  	[dreg:$0x3] =	wrdreg s5  }
0xaa: {  	[dreg:$0x4] =	wrdreg $0xC0  }
0xab: {  	_ =	task [dreg:s7], $0x5FFFF  }
0xac: {  	[dreg:$0x1] =	wrdreg $0xFFFFFFFF  }
0xad: {  	[dreg:$0x0] =	wrdreg $0x60  }
0xae: {  	[dreg:$0x2] =	wrdreg s24  }
0xaf: {  	[dreg:$0x3] =	wrdreg s2  }
0xb0: {  	[dreg:$0x4] =	wrdreg $0xA  }
0xb1: {  	_ =	task.clear_ibuf [dreg:s7], $0x5FFFF;
	_ =	strace $0x90000046  }
0xb2: {  	s29 =	simm.s32 $0xA;
	_ =	strace $0x80000048  }
0xb3: {  	_ =	swait.ge [sflag:s29], $0x1  }
0xb4: {  	[sflag:s29] =	ssyncadd.s32 $0xFFFFFFFF  }
0xb5: {  	_ =	strace $0x90000048  }
0xb6: {  	_ =	sfence  }
0xb7: {  	s30 =	sld [smem:$0x0];
	_ =	sdelay $0x2  }
0xb8: {  	s31 =	sshll.u32 s1, $0xD;
	s1 =	sshrl.u32 s1, $0x2  }
0xb9: {  	s3 =	sand.u32 $0x4000, s31;
	s1 =	sadd.s32 s1, s30  }
0xba: {  	s0 =	sor.u32 s3, s0;
	s1 =	sshll.u32 s1, $0x11  }
0xbb: {  	s0 =	sor.u32 s1, s0  }
0xbc: {  	s0 =	sadd.s32 $0x8F2B, s0  }
0xbd: {  	[sflag:s0] =	ssyncadd.remote.s32 $0x1  }
0xbe: {  	_ =	sfence.sel $0xFFFF  }
0xbf: {  	[dreg:$0x0] =	wrdreg $0xFFFFFFFF;
	(pc) =	sbr.abs _section_cstart, $3  }
0xc0: {  	[dreg:$0x1] =	wrdreg $0xFFFFFFFF  }
0xc1: {  	_ =	task.clear_ibuf [dreg:s7], $0x2FFFF;
	_ =	strace $0x9FFFFFFF  }
0xc2: {  	(tm) =	ssettm $0x7FFFFFFF  }
0xc3: {  	_ =	shalt  }
tec
execute0_lowered:
.L_overlay_start_1:
0x0: {  	(tag) =	ssettag $0x1  }
0x1: {  	s0 =	rddreg [dreg:$0x0]  }
0x2: {  	s1 =	srdreg.scid;
	s2 =	stileid.u32  }
0x3: {  	s5 =	rddreg [dreg:$0x1];
	s8 =	simm.s32 $0x80;
	s10 =	simm.s32 $0x1A00  }
0x4: {  	s22 =	simm.s32 $0x1600;
	s23 =	simm.s32 $0xAA00;
	s24 =	simm.s32 $0x1680  }
0x5: {  	s25 =	simm.s32 $0xB200;
	s28 =	simm.s32 $0xBA00;
	s29 =	simm.s32 $0x1780  }
0x6: {  	s30 =	simm.s32 $0xC200;
	s31 =	simm.s32 $0x1800;
	s9 =	simm.s32 $0xD200  }
0x7: {  	s11 =	simm.s32 $0x1900;
	s12 =	simm.s32 $0xDA00;
	s13 =	simm.s32 $0x1980  }
0x8: {  	s14 =	simm.s32 $0xE200;
	s15 =	simm.s32 $0x1;
	s16 =	simm.s32 $0xEA00  }
0x9: {  	s1 =	sand.u32 $0x1, s1;
	s3 =	sshll.u32 s2, $0x1;
	s2 =	simm.s32 $0x0  }
0xa: {  	s17 =	simm.s32 $0x0;
	s4 =	sor.u32 s1, s3;
	[smem:$0x7FF] =	sst s2  }
0xb: {  	s1 =	ssub.s32 $0x2, s1;
	s3 =	sadd.s32 $0x4600, s0;
	s6 =	smul.u32 $0x1A0, s4  }
0xc: {  	_ =	strace $0x80000047;
	s7 =	sshrl.u32 s1, $0x1;
	s26 =	sshll.u32 s4, $0x4  }
0xd: {  	s1 =	ssub.s32 s1, s7;
	s5 =	sadd.s32 s5, s26;
	s7 =	simm.s32 $0x2  }
0xe: {  	v0 =	vlaneseq.u32;
	s26 =	simm.s32 $0x1700;
	s0 =	sadd.s32 s6, s0;
	s6 =	smax.u32 s1, $0x1  }
0xf: {  	v0 =	vmul.u32 $0x1A, v0;
	s1 =	simm.s32 $0xCA00;
	s4 =	sadd.s32 $0x1200, s0;
	s0 =	simm.s32 $0x1880  }
.LBB2_1:
0x10: {  	[tilespmem:s2], [sflag:$0x2] =	stream.linear.gather [hbm4b:s4+s2], $0xD00, $0x38;
	[tilespmem:$0xEA80] =	vst v63  }
0x11: {  	_ =	swait.ge [sflag:s7], $0xD00  }
0x12: {  	[sflag:s7] =	ssyncset.done $0x0  }
0x13: {  	s18 =	simm.s32 $0x0;
	[sflag:s7] =	ssyncadd.s32 $0xFFFFF300  }
0x14: {  	s19 =	simm.s32 $0x40;
	v1 =	vld [tilespmem:s18+$0x0]  }
.LBB2_2:
0x15: {  	p0 =	sne.s32 s19, $0x33C0  }
.Ltmp0:
0x16: {  	_ = 	snop;
	(pc) =	sbr.rel @p0 .LBB2_2-.Ltmp0, $3  }
0x17: {  	_ =	sdelay $0x1  }
0x18: {  	s20 =	sshra.s32 s19, $0x2;
	s19 =	sadd.s32 $0x40, s19;
	v2 =	vshrl.u32 v1, $0x4  }
0x19: {  	v1 =	vld [tilespmem:s20+$0x0];
	[tilespmem:s18+$0xD00] =	vst v2;
	s18 =	smov.u32 s20  }
0x1a: {  	_ =	sdelay $0x3  }
0x1b: {  	v1 =	vshrl.u32 v1, $0x4  }
0x1c: {  	s20 =	simm.s32 $0xD00;
	[tilespmem:s18+$0xD00] =	vst v1  }
0x1d: {  	[tilespmem:s10], [sflag:$0x1] =	stream.indirect.gather [hbm4b:s3+s8], $0x10, s20, s8, $0xb8;
	[tilespmem:$0xEA80] =	vst v63  }
0x1e: {  	s21 =	simm.s32 $0xD80;
	s19 =	simm.s32 $0x2200  }
0x1f: {  	[tilespmem:s19], [sflag:$0x1] =	stream.indirect.gather [hbm4b:s3+s8], $0x10, s21, s8, $0xb8;
	[tilespmem:$0xEA80] =	vst v63  }
0x20: {  	s20 =	simm.s32 $0xE00;
	s21 =	simm.s32 $0x2A00  }
0x21: {  	[tilespmem:s21], [sflag:$0x1] =	stream.indirect.gather [hbm4b:s3+s8], $0x10, s20, s8, $0xb8;
	[tilespmem:$0xEA80] =	vst v63  }
0x22: {  	s20 =	simm.s32 $0xE80;
	s21 =	simm.s32 $0x3200  }
0x23: {  	[tilespmem:s21], [sflag:$0x1] =	stream.indirect.gather [hbm4b:s3+s8], $0x10, s20, s8, $0xb8;
	[tilespmem:$0xEA80] =	vst v63  }
0x24: {  	s20 =	simm.s32 $0xF00;
	s21 =	simm.s32 $0x3A00  }
0x25: {  	[tilespmem:s21], [sflag:$0x1] =	stream.indirect.gather [hbm4b:s3+s8], $0x10, s20, s8, $0xb8;
	[tilespmem:$0xEA80] =	vst v63  }
0x26: {  	s20 =	simm.s32 $0xF80;
	s21 =	simm.s32 $0x4200  }
0x27: {  	[tilespmem:s21], [sflag:$0x1] =	stream.indirect.gather [hbm4b:s3+s8], $0x10, s20, s8, $0xb8;
	[tilespmem:$0xEA80] =	vst v63  }
0x28: {  	s20 =	simm.s32 $0x1000;
	s21 =	simm.s32 $0x4A00  }
0x29: {  	[tilespmem:s21], [sflag:$0x1] =	stream.indirect.gather [hbm4b:s3+s8], $0x10, s20, s8, $0xb8;
	[tilespmem:$0xEA80] =	vst v63  }
0x2a: {  	s20 =	simm.s32 $0x1080;
	s21 =	simm.s32 $0x5200  }
0x2b: {  	[tilespmem:s21], [sflag:$0x1] =	stream.indirect.gather [hbm4b:s3+s8], $0x10, s20, s8, $0xb8;
	[tilespmem:$0xEA80] =	vst v63  }
0x2c: {  	s20 =	simm.s32 $0x1100;
	s21 =	simm.s32 $0x5A00  }
0x2d: {  	[tilespmem:s21], [sflag:$0x1] =	stream.indirect.gather [hbm4b:s3+s8], $0x10, s20, s8, $0xb8;
	[tilespmem:$0xEA80] =	vst v63  }
0x2e: {  	s20 =	simm.s32 $0x1180;
	s21 =	simm.s32 $0x6200  }
0x2f: {  	[tilespmem:s21], [sflag:$0x1] =	stream.indirect.gather [hbm4b:s3+s8], $0x10, s20, s8, $0xb8;
	[tilespmem:$0xEA80] =	vst v63  }
0x30: {  	s20 =	simm.s32 $0x1200;
	s21 =	simm.s32 $0x6A00  }
0x31: {  	[tilespmem:s21], [sflag:$0x1] =	stream.indirect.gather [hbm4b:s3+s8], $0x10, s20, s8, $0xb8;
	[tilespmem:$0xEA80] =	vst v63  }
0x32: {  	s20 =	simm.s32 $0x1280;
	s21 =	simm.s32 $0x7200  }
0x33: {  	[tilespmem:s21], [sflag:$0x1] =	stream.indirect.gather [hbm4b:s3+s8], $0x10, s20, s8, $0xb8;
	[tilespmem:$0xEA80] =	vst v63  }
0x34: {  	s20 =	simm.s32 $0x1300;
	s21 =	simm.s32 $0x7A00  }
0x35: {  	[tilespmem:s21], [sflag:$0x1] =	stream.indirect.gather [hbm4b:s3+s8], $0x10, s20, s8, $0xb8;
	[tilespmem:$0xEA80] =	vst v63  }
0x36: {  	s20 =	simm.s32 $0x1380;
	s21 =	simm.s32 $0x8200  }
0x37: {  	[tilespmem:s21], [sflag:$0x1] =	stream.indirect.gather [hbm4b:s3+s8], $0x10, s20, s8, $0xb8;
	[tilespmem:$0xEA80] =	vst v63  }
0x38: {  	s20 =	simm.s32 $0x1400;
	s21 =	simm.s32 $0x8A00  }
0x39: {  	[tilespmem:s21], [sflag:$0x1] =	stream.indirect.gather [hbm4b:s3+s8], $0x10, s20, s8, $0xb8;
	[tilespmem:$0xEA80] =	vst v63  }
0x3a: {  	s20 =	simm.s32 $0x1480;
	s21 =	simm.s32 $0x9200  }
0x3b: {  	[tilespmem:s21], [sflag:$0x1] =	stream.indirect.gather [hbm4b:s3+s8], $0x10, s20, s8, $0xb8;
	[tilespmem:$0xEA80] =	vst v63  }
0x3c: {  	s20 =	simm.s32 $0x1500;
	s21 =	simm.s32 $0x9A00  }
0x3d: {  	[tilespmem:s21], [sflag:$0x1] =	stream.indirect.gather [hbm4b:s3+s8], $0x10, s20, s8, $0xb8;
	[tilespmem:$0xEA80] =	vst v63  }
0x3e: {  	s20 =	simm.s32 $0x1580;
	s21 =	simm.s32 $0xA200  }
0x3f: {  	[tilespmem:s21], [sflag:$0x1] =	stream.indirect.gather [hbm4b:s3+s8], $0x10, s20, s8, $0xb8;
	[tilespmem:$0xEA80] =	vst v63  }
0x40: {  	_ = 	snop  }
0x41: {  	[tilespmem:s23], [sflag:$0x1] =	stream.indirect.gather [hbm4b:s3+s8], $0x10, s22, s8, $0xb8;
	[tilespmem:$0xEA80] =	vst v63  }
0x42: {  	_ = 	snop  }
0x43: {  	[tilespmem:s25], [sflag:$0x1] =	stream.indirect.gather [hbm4b:s3+s8], $0x10, s24, s8, $0xb8;
	[tilespmem:$0xEA80] =	vst v63  }
0x44: {  	_ = 	snop  }
0x45: {  	[tilespmem:s28], [sflag:$0x1] =	stream.indirect.gather [hbm4b:s3+s8], $0x10, s26, s8, $0xb8;
	[tilespmem:$0xEA80] =	vst v63  }
0x46: {  	_ = 	snop  }
0x47: {  	[tilespmem:s30], [sflag:$0x1] =	stream.indirect.gather [hbm4b:s3+s8], $0x10, s29, s8, $0xb8;
	[tilespmem:$0xEA80] =	vst v63  }
0x48: {  	_ = 	snop  }
0x49: {  	[tilespmem:s1], [sflag:$0x1] =	stream.indirect.gather [hbm4b:s3+s8], $0x10, s31, s8, $0xb8;
	[tilespmem:$0xEA80] =	vst v63  }
0x4a: {  	_ = 	snop  }
0x4b: {  	[tilespmem:s9], [sflag:$0x1] =	stream.indirect.gather [hbm4b:s3+s8], $0x10, s0, s8, $0xb8;
	[tilespmem:$0xEA80] =	vst v63  }
0x4c: {  	_ = 	snop  }
0x4d: {  	[tilespmem:s12], [sflag:$0x1] =	stream.indirect.gather [hbm4b:s3+s8], $0x10, s11, s8, $0xb8;
	[tilespmem:$0xEA80] =	vst v63  }
0x4e: {  	_ = 	snop  }
0x4f: {  	[tilespmem:s14], [sflag:$0x1] =	stream.indirect.gather [hbm4b:s3+s8], $0x10, s13, s8, $0xb8;
	[tilespmem:$0xEA80] =	vst v63  }
0x50: {  	_ =	swait.ge [sflag:s15], $0xD000  }
0x51: {  	[sflag:s15] =	ssyncset.done $0x0  }
0x52: {  	s18 =	simm.s32 $0x0;
	s19 =	simm.s32 $0x0;
	[sflag:s15] =	ssyncadd.s32 $0xFFFF3000  }
.LBB2_4:
0x53: {  	s20 =	sshll.u32 s19, $0x4  }
0x54: {  	v1 =	vmov s20  }
0x55: {  	v1 =	vmul.u32 $0x1A, v1;
	_ =	sdelay $0x1  }
0x56: {  	v2 =	vadd.s32 s18, v1  }
0x57: {  	v2 =	vbroadcast v2, $0x0;
	_ =	sdelay $0x1  }
0x58: {  	v2 =	vadd.s32 v0, v2  }
0x59: {  	s21 =	simm.s32 $0x1  }
0x5a: {  	v3 =	vadd.s32 s21, v1  }
0x5b: {  	v3 =	vbroadcast v3, $0x0;
	_ =	sdelay $0x1  }
0x5c: {  	v4 =	vadd.s32 v0, v3;
	v5 =	vld.idx.msk [tilespmem:v2+s2+$0x0], $0xffff  }
0x5d: {  	s21 =	simm.s32 $0x2  }
0x5e: {  	v3 =	vadd.s32 s21, v1  }
0x5f: {  	v3 =	vbroadcast v3, $0x0;
	_ =	sdelay $0x1  }
0x60: {  	v3 =	vadd.s32 v0, v3;
	v6 =	vld.idx.msk [tilespmem:v4+s2+$0x0], $0xffff;
	v2 =	vshll.u32 v2, $0x4;
	v5 =	vand.u32 $0xF, v5  }
0x61: {  	s21 =	simm.s32 $0x3;
	v7 =	vor.u32 v2, v5  }
0x62: {  	v2 =	vadd.s32 s21, v1  }
0x63: {  	v8 =	vbroadcast v2, $0x0;
	_ =	sdelay $0x1  }
0x64: {  	v9 =	vshll.u32 v4, $0x4;
	v10 =	vand.u32 $0xF, v6;
	v5 =	vld.idx.msk [tilespmem:v3+s2+$0x0], $0xffff;
	v6 =	vadd.s32 v0, v8  }
0x65: {  	s21 =	simm.s32 $0x4;
	v2 =	vimm.f32 $0.0e+00;
	v4 =	vld.idx.msk [tilespmem:v7+s10+$0x0], $0xffff;
	v7 =	vor.u32 v9, v10  }
.LBB2_5:
0x66: {  	v8 =	vadd.s32 s21, v1;
	p0 =	sne.s32 s21, $0x19  }
.Ltmp1:
0x67: {  	v8 =	vbroadcast v8, $0x0;
	(pc) =	sbr.rel @p0 .LBB2_5-.Ltmp1, $4  }
0x68: {  	s21 =	sadd.s32 $0x1, s21  }
0x69: {  	v9 =	vmov v5;
	v8 =	vadd.s32 v0, v8;
	v5 =	vld.idx.msk [tilespmem:v6+s2+$0x0], $0xffff  }
0x6a: {  	v10 =	vshll.u32 v3, $0x4;
	v3 =	vmovc v6;
	v9 =	vand.u32 $0xF, v9;
	v2 =	vadd.f32 v4, v2;
	v4 =	vld.idx.msk [tilespmem:v7+s10+$0x0], $0xffff;
	v6 =	vmovc v8  }
0x6b: {  	v7 =	vor.u32 v10, v9  }
0x6c: {  	_ =	sdelay $0x3  }
0x6d: {  	v1 =	vld.idx.msk [tilespmem:v6+s2+$0x0], $0xffff;
	_ =	sdelay $0x2  }
0x6e: {  	v3 =	vshll.u32 v3, $0x4;
	v5 =	vand.u32 $0xF, v5  }
0x6f: {  	v3 =	vor.u32 v3, v5  }
0x70: {  	v62 =	vshll.u32 v6, $0x4;
	v1 =	vand.u32 $0xF, v1  }
0x71: {  	v1 =	vor.u32 v62, v1  }
0x72: {  	v63 =	vld.idx.msk [tilespmem:v7+s10+$0x0], $0xffff;
	_ =	sdelay $0x1  }
0x73: {  	v3 =	vld.idx.msk [tilespmem:v3+s10+$0x0], $0xffff  }
0x74: {  	v2 =	vadd.f32 v4, v2  }
0x75: {  	v1 =	vld.idx.msk [tilespmem:v1+s10+$0x0], $0xffff  }
0x76: {  	s19 =	sadd.s32 $0x1, s19;
	v2 =	vadd.f32 v63, v2  }
0x77: {  	p0 =	sne.s32 s19, $0x8  }
.Ltmp2:
0x78: {  	v2 =	vadd.f32 v3, v2;
	(pc) =	sbr.rel @p0 .LBB2_4-.Ltmp2, $3  }
0x79: {  	_ = 	snop  }
0x7a: {  	v1 =	vadd.f32 v1, v2;
	_ =	sdelay $0x1  }
0x7b: {  	[tilespmem:s20+$0xEA00] =	vst v1  }
0x7c: {  	s17 =	sadd.s32 $0x1, s17  }
0x7d: {  	p0 =	sne.s32 s17, s6  }
.Ltmp3:
0x7e: {  	_ = 	snop;
	(pc) =	sbr.rel @p0 .LBB2_1-.Ltmp3, $4  }
0x7f: {  	[hbm4b:s5+s2] =	stream.linear.scatter [tilespmem:s16], [sflag:$0x2], $0x80, $0x38;
	[tilespmem:$0xEA80] =	vst v63  }
0x80: {  	_ =	swait.ge [sflag:s7], $0x80  }
0x81: {  	[sflag:s7] =	ssyncset.done $0x0  }
0x82: {  	[sflag:s7] =	ssyncadd.s32 $0xFFFFFF80  }
0x83: {  	_ =	sfence.sel $0x180000  }
0x84: {  	[bflag:$0x0] =	sbarrier.arrive $0xFFFF  }
0x85: {  	_ =	strace $0x90000047  }
0x86: {  	s0 =	stileid.u32;
	[bflag:$0x2] =	sbarrier.arrive $0xFFFF  }
0x87: {  	p0 =	sne.s32 s0, $0x0;
	s0 =	rddreg [dreg:$0x2]  }
0x88: {  	s0 =	sadd.s32 @!p0 $0x100000, s0  }
0x89: {  	[sflag:s0] =	ssyncadd.tile.s32 @!p0 $0x1;
	_ =	shalt  }
.Lfunc_end2:
_tile_overlayer_lowered:
.L_overlay_start_2:
0x8a: {  	(tag) =	ssettag $0x2  }
0x8b: {  	s0 =	rddreg [dreg:$0x0];
	s2 =	stileid.u32  }
0x8c: {  	s1 =	rddreg [dreg:$0x1];
	p0 =	sne.s32 s2, $0x0  }
0x8d: {  	s3 =	rddreg [dreg:$0x2];
	[bflag:$0x3] =	sbarrier.arrive $0xFFFF;
	s2 =	simm.s32 @!p0 $0x1C02  }
0x8e: {  	[timem:s3], [sflag:s2] =	dma.local @!p0 [hbm:s0], s1  }
0x8f: {  	s0 =	simm.s32 @!p0 $0x2  }
0x90: {  	_ =	swait.ge @!p0 [sflag:s0], s1  }
0x91: {  	s1 =	ssub.s32 @!p0 $0x0, s1;
	[sflag:s0] =	ssyncset.done @!p0 $0x0  }
0x92: {  	[sflag:s0] =	ssyncadd.s32 @!p0 s1  }
0x93: {  	[bflag:$0x3] =	sbarrier.arrive $0xFFFF  }
0x94: {  	_ =	shalt  }

</sc_bundles>
